<compile_context>
chip_gen: v7x
topology: tpu7x:2x2x1
jax: 0.10.2.dev20260603
libtpu: 0.0.44.dev20260713+nightly
codegen_flags: <defaults>
</compile_context>

<pallas_src>
import functools

import jax
import jax.numpy as jnp
from jax import lax
from jax.experimental import pallas as pl
from jax.experimental.pallas import tpu as pltpu
from jax.experimental.pallas import tpu_sc as plsc

_P = 128
_B = 512
_H = 128
_ALPHA = 0.5
_RESID = (1.0 - _ALPHA) / _P

_GUMBEL_KJB = None


def _gumbel_kjb():
    global _GUMBEL_KJB
    if _GUMBEL_KJB is None:
        g = jax.random.gumbel(jax.random.key(42), (_P, _B, _P), jnp.float32)
        _GUMBEL_KJB = jnp.transpose(g, (0, 2, 1)).reshape(_P * _P, _B)
    return _GUMBEL_KJB


_NEG_INF = float("-inf")
_INT_MAX = 2**31 - 1


_KB = 8
_NGRID = _P // _KB


def _sample_body(logits_ref, prob_ref, g_ref, idx_ref, pnew_ref, norm_ref,
                 m_ref, s_ref):
    kblk = pl.program_id(0)
    logits = logits_ref[...]
    unnorm = prob_ref[...] - logits
    iota_j = lax.broadcasted_iota(jnp.int32, (_P, _B), 0)
    iota_b = lax.broadcasted_iota(jnp.int32, (1, _B), 1)

    @pl.when(kblk == 0)
    def _init():
        m_ref[...] = jnp.full((1, _B), _NEG_INF, jnp.float32)
        s_ref[...] = jnp.zeros((1, _B), jnp.float32)

    m = m_ref[...]
    s = s_ref[...]
    for i in range(_KB):
        vals = logits + g_ref[pl.ds(i * _P, _P), :]
        vmax = jnp.max(vals, axis=0, keepdims=True)
        cand = jnp.where(vals == vmax, iota_j, _INT_MAX)
        j_star = jnp.min(cand, axis=0, keepdims=True)
        u = jnp.max(jnp.where(iota_j == j_star, unnorm, _NEG_INF), axis=0,
                    keepdims=True)
        idx_ref[i] = j_star * _B + iota_b
        pnew_ref[i] = u
        m_new = jnp.maximum(m, u)
        s = s * jnp.exp(m - m_new) + jnp.exp(u - m_new)
        m = m_new
    m_ref[...] = m
    s_ref[...] = s

    @pl.when(kblk == _NGRID - 1)
    def _finish():
        norm_ref[...] = m + jnp.log(s)


def _sample_call(logits_kb, prob_kb, g_kjb):
    return pl.pallas_call(
        _sample_body,
        grid=(_NGRID,),
        in_specs=[
            pl.BlockSpec((_P, _B), lambda k: (0, 0)),
            pl.BlockSpec((_P, _B), lambda k: (0, 0)),
            pl.BlockSpec((_KB * _P, _B), lambda k: (k, 0)),
        ],
        out_specs=[
            pl.BlockSpec((_KB, 1, _B), lambda k: (k, 0, 0)),
            pl.BlockSpec((_KB, 1, _B), lambda k: (k, 0, 0)),
            pl.BlockSpec((1, _B), lambda k: (0, 0)),
        ],
        out_shape=[
            jax.ShapeDtypeStruct((_P, 1, _B), jnp.int32),
            jax.ShapeDtypeStruct((_P, 1, _B), jnp.float32),
            jax.ShapeDtypeStruct((1, _B), jnp.float32),
        ],
        scratch_shapes=[
            pltpu.VMEM((1, _B), jnp.float32),
            pltpu.VMEM((1, _B), jnp.float32),
        ],
    )(logits_kb, prob_kb, g_kjb)


_ROWS = _P * _B
_NW = 32
_RPW = _ROWS // _NW
_CHUNK = 256
_NCHUNK = _RPW // _CHUNK
_NBUF = 3


def _gather_body(table_hbm, idx_hbm, out_hbm, idx_v, bufs, isems, osems):
    wid = lax.axis_index("s") * 2 + lax.axis_index("c")
    base = wid * _RPW
    pltpu.sync_copy(idx_hbm.at[pl.ds(base, _RPW)], idx_v)
    copies_in = [None] * _NBUF
    copies_out = [None] * _NBUF
    for c in range(_NCHUNK):
        b = c % _NBUF
        if copies_out[b] is not None:
            copies_out[b].wait()
            copies_out[b] = None
        copies_in[b] = pltpu.async_copy(
            table_hbm.at[idx_v.at[pl.ds(c * _CHUNK, _CHUNK)]], bufs[b],
            isems[b])
        if c > 0:
            pb = (c - 1) % _NBUF
            copies_in[pb].wait()
            copies_out[pb] = pltpu.async_copy(
                bufs[pb], out_hbm.at[pl.ds(base + (c - 1) * _CHUNK, _CHUNK)],
                osems[pb])
    lb = (_NCHUNK - 1) % _NBUF
    copies_in[lb].wait()
    copies_out[lb] = pltpu.async_copy(
        bufs[lb], out_hbm.at[pl.ds(base + (_NCHUNK - 1) * _CHUNK, _CHUNK)],
        osems[lb])
    for b in range(_NBUF):
        if copies_out[b] is not None:
            copies_out[b].wait()


def _gather_call(particles, flat_idx):
    mesh = plsc.VectorSubcoreMesh(core_axis_name="c", subcore_axis_name="s")
    f = functools.partial(
        pl.kernel,
        out_type=jax.ShapeDtypeStruct((_ROWS, _H), jnp.float32),
        mesh=mesh,
        scratch_types=[
            pltpu.VMEM((_RPW,), jnp.int32),
            [pltpu.VMEM((_CHUNK, _H), jnp.float32) for _ in range(_NBUF)],
            [pltpu.SemaphoreType.DMA for _ in range(_NBUF)],
            [pltpu.SemaphoreType.DMA for _ in range(_NBUF)],
        ],
    )(_gather_body)
    return f(particles, flat_idx)


def kernel(particles, prob):
    prob_kb = prob.reshape(_P, _B)
    logits_kb = jnp.log(_ALPHA * jnp.exp(prob_kb) + _RESID)
    g_kjb = _gumbel_kjb()

    flat_idx3, pnew3, norm = _sample_call(logits_kb, prob_kb, g_kjb)
    particles_new = _gather_call(particles, flat_idx3.reshape(-1))
    prob_new = (pnew3.reshape(_P, _B) - norm).reshape(-1, 1)
    return particles_new, prob_new

# --- scband reference (transcript-rebuilt; emitter-appended) ---
"""Pipeline reference for scband-base-model-54614804136216 (READ-ONLY COPY).

The authoritative reference and input builder live on the scoring server;
editing this copy changes nothing except your own understanding.
"""

import jax, jax.numpy as jnp
import numpy as np

P = 128   # pNumber
B = 512   # batch size
H = 128   # hidden (particle) dim
ALPHA = 0.5


def setup_inputs(seed: int = 0) -> dict:
    key = jax.random.key(seed)
    k1, k2 = jax.random.split(key)
    particles = jax.random.normal(k1, (P * B, H), dtype=jnp.float32)
    # prob is log-weights, normalized over the particle dimension (dim 0 of [P, B])
    logits = jax.random.normal(k2, (P, B), dtype=jnp.float32)
    prob = jax.nn.log_softmax(logits, axis=0).reshape(-1, 1)
    return {"particles": particles, "prob": prob}


def reference(particles, prob):
    K = P
    # proposal q(i) = alpha * w_i + (1 - alpha) / K
    resamp_prob = ALPHA * jnp.exp(prob) + (1.0 - ALPHA) / K  # [K*B, 1]
    resamp_prob = resamp_prob.reshape(K, -1)                 # [K, B]
    bsz = resamp_prob.shape[1]
    # torch.multinomial(resamp_prob.T, num_samples=K, replacement=True) -> [B, K]
    # then .transpose(1, 0) -> [K, B]; jax.random.categorical with shape=(K, B)
    # over row-logits [B, K] gives the same [K, B] layout directly.
    logits = jnp.log(resamp_prob.T)                          # [B, K]
    skey = jax.random.key(42)
    indices = jax.random.categorical(skey, logits, shape=(K, bsz))  # [K, B] int
    offset = jnp.arange(bsz, dtype=indices.dtype)[None, :]          # [1, B]
    flat_indices = (offset + indices * bsz).reshape(-1)             # [K*B]
    particles_new = jnp.take(particles, flat_indices, axis=0)       # gather [K*B, H]
    prob_new = jnp.exp(jnp.take(prob.reshape(-1, 1), flat_indices, axis=0))
    prob_new = prob_new / (ALPHA * prob_new + (1.0 - ALPHA) / K)
    prob_new = jnp.log(prob_new).reshape(K, -1, 1)
    prob_new = prob_new - jax.scipy.special.logsumexp(prob_new, axis=0, keepdims=True)
    prob_new = prob_new.reshape(-1, 1)
    return (particles_new, prob_new)

if __name__ == "__main__":
    import jax
    _d = setup_inputs()
    print(jax.jit(kernel)(*tuple(_d.values())))

</pallas_src>

<mosaic_0001>
#map = affine_map<(d0, d1) -> (0, 0)>
#map1 = affine_map<(d0, d1) -> (0)>
module attributes {stable_mosaic.version = 14 : i64} {
  func.func @_gather_body(%arg0: i32, %arg1: i32, %arg2: memref<65536x128xf32, #tpu.memory_space<hbm>>, %arg3: memref<65536xi32, #tpu.memory_space<hbm>>, %arg4: memref<65536x128xf32, #tpu.memory_space<hbm>>, %arg5: memref<2048xi32, #tpu.memory_space<vmem>>, %arg6: memref<256x128xf32, #tpu.memory_space<vmem>>, %arg7: memref<256x128xf32, #tpu.memory_space<vmem>>, %arg8: memref<256x128xf32, #tpu.memory_space<vmem>>, %arg9: memref<!tpu.dma_semaphore, #tpu.memory_space<semaphore_mem>>, %arg10: memref<!tpu.dma_semaphore, #tpu.memory_space<semaphore_mem>>, %arg11: memref<!tpu.dma_semaphore, #tpu.memory_space<semaphore_mem>>, %arg12: memref<!tpu.dma_semaphore, #tpu.memory_space<semaphore_mem>>, %arg13: memref<!tpu.dma_semaphore, #tpu.memory_space<semaphore_mem>>, %arg14: memref<!tpu.dma_semaphore, #tpu.memory_space<semaphore_mem>>) attributes {dimension_semantics = [#tpu.dimension_semantics<core_parallel>, #tpu.dimension_semantics<subcore_parallel>], iteration_bounds = array<i64: 2, 16>, scalar_prefetch = 0 : i64, scratch_operands = 10 : i64, tpu.core_type = #tpu.core_type<sc_vector_subcore>, window_params = [{transform_indices = #map}, {transform_indices = #map1}, {transform_indices = #map}]} {
    %mul3A = arith.constant 2 : i32
    %mul3A_0 = arith.muli %arg1, %mul3A : i32
    %add3A = arith.addi %mul3A_0, %arg0 : i32
    %mul3A_1 = arith.constant 2048 : i32
    %mul3A_2 = arith.muli %add3A, %mul3A_1 : i32
    "tpu.region"() ({
      %run_scoped3A = tpu.sem_alloc : memref<!tpu.dma_semaphore, #tpu.memory_space<semaphore_mem>>
      %dma_start3A_161 = tpu.memref_slice %arg3[%mul3A_2] : memref<65536xi32, #tpu.memory_space<hbm>> -> memref<2048xi32, #tpu.memory_space<hbm>>
      %dma_start3A_162 = tpu.memref_slice %arg3[%mul3A_2] : memref<65536xi32, #tpu.memory_space<hbm>> -> memref<2048xi32, #tpu.memory_space<hbm>>
      tpu.enqueue_dma source(%dma_start3A_162 : memref<2048xi32, #tpu.memory_space<hbm>>) target(%arg5 : memref<2048xi32, #tpu.memory_space<vmem>>) target_semaphore(%run_scoped3A : memref<!tpu.dma_semaphore, #tpu.memory_space<semaphore_mem>>)
      %dma_wait3A_163 = tpu.memref_slice %arg3[%mul3A_2] : memref<65536xi32, #tpu.memory_space<hbm>> -> memref<2048xi32, #tpu.memory_space<hbm>>
      %dma_wait3A_164 = tpu.memref_slice %arg3[%mul3A_2] : memref<65536xi32, #tpu.memory_space<hbm>> -> memref<2048xi32, #tpu.memory_space<hbm>>
      tpu.wait_dma2 semaphore(%run_scoped3A : memref<!tpu.dma_semaphore, #tpu.memory_space<semaphore_mem>>) src(%dma_wait3A_164 : memref<2048xi32, #tpu.memory_space<hbm>>) dst(%arg5 : memref<2048xi32, #tpu.memory_space<vmem>>)
      tpu.yield
    }) : () -> ()
    %dma_start3A = arith.constant 0 : i32
    %dma_start3A_3 = tpu.memref_slice %arg5[%dma_start3A] : memref<2048xi32, #tpu.memory_space<vmem>> -> memref<256xi32, #tpu.memory_space<vmem>>
    %dma_start3A_4 = arith.constant 0 : i32
    %dma_start3A_5 = arith.constant 0 : i32
    %dma_start3A_6 = tpu.memref_slice %arg2[%dma_start3A_4, %dma_start3A_5] : memref<65536x128xf32, #tpu.memory_space<hbm>> -> memref<65536x128xf32, #tpu.memory_space<hbm>>
    tpu.enqueue_indirect_dma source(%dma_start3A_6 : memref<65536x128xf32, #tpu.memory_space<hbm>>) target(%arg6 : memref<256x128xf32, #tpu.memory_space<vmem>>) offsets(%dma_start3A_3 : memref<256xi32, #tpu.memory_space<vmem>>) semaphore(%arg9 : memref<!tpu.dma_semaphore, #tpu.memory_space<semaphore_mem>>)
    %dma_start3A_7 = arith.constant 256 : i32
    %dma_start3A_8 = tpu.memref_slice %arg5[%dma_start3A_7] : memref<2048xi32, #tpu.memory_space<vmem>> -> memref<256xi32, #tpu.memory_space<vmem>>
    %dma_start3A_9 = arith.constant 0 : i32
    %dma_start3A_10 = arith.constant 0 : i32
    %dma_start3A_11 = tpu.memref_slice %arg2[%dma_start3A_9, %dma_start3A_10] : memref<65536x128xf32, #tpu.memory_space<hbm>> -> memref<65536x128xf32, #tpu.memory_space<hbm>>
    tpu.enqueue_indirect_dma source(%dma_start3A_11 : memref<65536x128xf32, #tpu.memory_space<hbm>>) target(%arg7 : memref<256x128xf32, #tpu.memory_space<vmem>>) offsets(%dma_start3A_8 : memref<256xi32, #tpu.memory_space<vmem>>) semaphore(%arg10 : memref<!tpu.dma_semaphore, #tpu.memory_space<semaphore_mem>>)
    %dma_wait3A = arith.constant 0 : i32
    %dma_wait3A_12 = tpu.memref_slice %arg5[%dma_wait3A] : memref<2048xi32, #tpu.memory_space<vmem>> -> memref<256xi32, #tpu.memory_space<vmem>>
    %dma_wait3A_13 = arith.constant 0 : i32
    %dma_wait3A_14 = arith.constant 0 : i32
    %dma_wait3A_15 = tpu.memref_slice %arg2[%dma_wait3A_13, %dma_wait3A_14] : memref<65536x128xf32, #tpu.memory_space<hbm>> -> memref<65536x128xf32, #tpu.memory_space<hbm>>
    tpu.wait_indirect_dma semaphore(%arg9 : memref<!tpu.dma_semaphore, #tpu.memory_space<semaphore_mem>>) src(%dma_wait3A_15 : memref<65536x128xf32, #tpu.memory_space<hbm>>) dst(%arg6 : memref<256x128xf32, #tpu.memory_space<vmem>>)
    %add3A_16 = arith.constant 0 : i32
    %add3A_17 = arith.addi %mul3A_2, %add3A_16 : i32
    %dma_start3A_18 = arith.constant 0 : i32
    %dma_start3A_19 = tpu.memref_slice %arg4[%add3A_17, %dma_start3A_18] : memref<65536x128xf32, #tpu.memory_space<hbm>> -> memref<256x128xf32, #tpu.memory_space<hbm>>
    %dma_start3A_20 = arith.constant 0 : i32
    %dma_start3A_21 = tpu.memref_slice %arg4[%add3A_17, %dma_start3A_20] : memref<65536x128xf32, #tpu.memory_space<hbm>> -> memref<256x128xf32, #tpu.memory_space<hbm>>
    tpu.enqueue_dma source(%arg6 : memref<256x128xf32, #tpu.memory_space<vmem>>) target(%dma_start3A_21 : memref<256x128xf32, #tpu.memory_space<hbm>>) target_semaphore(%arg12 : memref<!tpu.dma_semaphore, #tpu.memory_space<semaphore_mem>>)
    %dma_start3A_22 = arith.constant 512 : i32
    %dma_start3A_23 = tpu.memref_slice %arg5[%dma_start3A_22] : memref<2048xi32, #tpu.memory_space<vmem>> -> memref<256xi32, #tpu.memory_space<vmem>>
    %dma_start3A_24 = arith.constant 0 : i32
    %dma_start3A_25 = arith.constant 0 : i32
    %dma_start3A_26 = tpu.memref_slice %arg2[%dma_start3A_24, %dma_start3A_25] : memref<65536x128xf32, #tpu.memory_space<hbm>> -> memref<65536x128xf32, #tpu.memory_space<hbm>>
    tpu.enqueue_indirect_dma source(%dma_start3A_26 : memref<65536x128xf32, #tpu.memory_space<hbm>>) target(%arg8 : memref<256x128xf32, #tpu.memory_space<vmem>>) offsets(%dma_start3A_23 : memref<256xi32, #tpu.memory_space<vmem>>) semaphore(%arg11 : memref<!tpu.dma_semaphore, #tpu.memory_space<semaphore_mem>>)
    %dma_wait3A_27 = arith.constant 256 : i32
    %dma_wait3A_28 = tpu.memref_slice %arg5[%dma_wait3A_27] : memref<2048xi32, #tpu.memory_space<vmem>> -> memref<256xi32, #tpu.memory_space<vmem>>
    %dma_wait3A_29 = arith.constant 0 : i32
    %dma_wait3A_30 = arith.constant 0 : i32
    %dma_wait3A_31 = tpu.memref_slice %arg2[%dma_wait3A_29, %dma_wait3A_30] : memref<65536x128xf32, #tpu.memory_space<hbm>> -> memref<65536x128xf32, #tpu.memory_space<hbm>>
    tpu.wait_indirect_dma semaphore(%arg10 : memref<!tpu.dma_semaphore, #tpu.memory_space<semaphore_mem>>) src(%dma_wait3A_31 : memref<65536x128xf32, #tpu.memory_space<hbm>>) dst(%arg7 : memref<256x128xf32, #tpu.memory_space<vmem>>)
    %add3A_32 = arith.constant 256 : i32
    %add3A_33 = arith.addi %mul3A_2, %add3A_32 : i32
    %dma_start3A_34 = arith.constant 0 : i32
    %dma_start3A_35 = tpu.memref_slice %arg4[%add3A_33, %dma_start3A_34] : memref<65536x128xf32, #tpu.memory_space<hbm>> -> memref<256x128xf32, #tpu.memory_space<hbm>>
    %dma_start3A_36 = arith.constant 0 : i32
    %dma_start3A_37 = tpu.memref_slice %arg4[%add3A_33, %dma_start3A_36] : memref<65536x128xf32, #tpu.memory_space<hbm>> -> memref<256x128xf32, #tpu.memory_space<hbm>>
    tpu.enqueue_dma source(%arg7 : memref<256x128xf32, #tpu.memory_space<vmem>>) target(%dma_start3A_37 : memref<256x128xf32, #tpu.memory_space<hbm>>) target_semaphore(%arg13 : memref<!tpu.dma_semaphore, #tpu.memory_space<semaphore_mem>>)
    %dma_wait3A_38 = arith.constant 0 : i32
    %dma_wait3A_39 = tpu.memref_slice %arg4[%add3A_17, %dma_wait3A_38] : memref<65536x128xf32, #tpu.memory_space<hbm>> -> memref<256x128xf32, #tpu.memory_space<hbm>>
    %dma_wait3A_40 = arith.constant 0 : i32
    %dma_wait3A_41 = tpu.memref_slice %arg4[%add3A_17, %dma_wait3A_40] : memref<65536x128xf32, #tpu.memory_space<hbm>> -> memref<256x128xf32, #tpu.memory_space<hbm>>
    tpu.wait_dma2 semaphore(%arg12 : memref<!tpu.dma_semaphore, #tpu.memory_space<semaphore_mem>>) src(%arg6 : memref<256x128xf32, #tpu.memory_space<vmem>>) dst(%dma_wait3A_41 : memref<256x128xf32, #tpu.memory_space<hbm>>)
    %dma_start3A_42 = arith.constant 768 : i32
    %dma_start3A_43 = tpu.memref_slice %arg5[%dma_start3A_42] : memref<2048xi32, #tpu.memory_space<vmem>> -> memref<256xi32, #tpu.memory_space<vmem>>
    %dma_start3A_44 = arith.constant 0 : i32
    %dma_start3A_45 = arith.constant 0 : i32
    %dma_start3A_46 = tpu.memref_slice %arg2[%dma_start3A_44, %dma_start3A_45] : memref<65536x128xf32, #tpu.memory_space<hbm>> -> memref<65536x128xf32, #tpu.memory_space<hbm>>
    tpu.enqueue_indirect_dma source(%dma_start3A_46 : memref<65536x128xf32, #tpu.memory_space<hbm>>) target(%arg6 : memref<256x128xf32, #tpu.memory_space<vmem>>) offsets(%dma_start3A_43 : memref<256xi32, #tpu.memory_space<vmem>>) semaphore(%arg9 : memref<!tpu.dma_semaphore, #tpu.memory_space<semaphore_mem>>)
    %dma_wait3A_47 = arith.constant 512 : i32
    %dma_wait3A_48 = tpu.memref_slice %arg5[%dma_wait3A_47] : memref<2048xi32, #tpu.memory_space<vmem>> -> memref<256xi32, #tpu.memory_space<vmem>>
    %dma_wait3A_49 = arith.constant 0 : i32
    %dma_wait3A_50 = arith.constant 0 : i32
    %dma_wait3A_51 = tpu.memref_slice %arg2[%dma_wait3A_49, %dma_wait3A_50] : memref<65536x128xf32, #tpu.memory_space<hbm>> -> memref<65536x128xf32, #tpu.memory_space<hbm>>
    tpu.wait_indirect_dma semaphore(%arg11 : memref<!tpu.dma_semaphore, #tpu.memory_space<semaphore_mem>>) src(%dma_wait3A_51 : memref<65536x128xf32, #tpu.memory_space<hbm>>) dst(%arg8 : memref<256x128xf32, #tpu.memory_space<vmem>>)
    %add3A_52 = arith.constant 512 : i32
    %add3A_53 = arith.addi %mul3A_2, %add3A_52 : i32
    %dma_start3A_54 = arith.constant 0 : i32
    %dma_start3A_55 = tpu.memref_slice %arg4[%add3A_53, %dma_start3A_54] : memref<65536x128xf32, #tpu.memory_space<hbm>> -> memref<256x128xf32, #tpu.memory_space<hbm>>
    %dma_start3A_56 = arith.constant 0 : i32
    %dma_start3A_57 = tpu.memref_slice %arg4[%add3A_53, %dma_start3A_56] : memref<65536x128xf32, #tpu.memory_space<hbm>> -> memref<256x128xf32, #tpu.memory_space<hbm>>
    tpu.enqueue_dma source(%arg8 : memref<256x128xf32, #tpu.memory_space<vmem>>) target(%dma_start3A_57 : memref<256x128xf32, #tpu.memory_space<hbm>>) target_semaphore(%arg14 : memref<!tpu.dma_semaphore, #tpu.memory_space<semaphore_mem>>)
    %dma_wait3A_58 = arith.constant 0 : i32
    %dma_wait3A_59 = tpu.memref_slice %arg4[%add3A_33, %dma_wait3A_58] : memref<65536x128xf32, #tpu.memory_space<hbm>> -> memref<256x128xf32, #tpu.memory_space<hbm>>
    %dma_wait3A_60 = arith.constant 0 : i32
    %dma_wait3A_61 = tpu.memref_slice %arg4[%add3A_33, %dma_wait3A_60] : memref<65536x128xf32, #tpu.memory_space<hbm>> -> memref<256x128xf32, #tpu.memory_space<hbm>>
    tpu.wait_dma2 semaphore(%arg13 : memref<!tpu.dma_semaphore, #tpu.memory_space<semaphore_mem>>) src(%arg7 : memref<256x128xf32, #tpu.memory_space<vmem>>) dst(%dma_wait3A_61 : memref<256x128xf32, #tpu.memory_space<hbm>>)
    %dma_start3A_62 = arith.constant 1024 : i32
    %dma_start3A_63 = tpu.memref_slice %arg5[%dma_start3A_62] : memref<2048xi32, #tpu.memory_space<vmem>> -> memref<256xi32, #tpu.memory_space<vmem>>
    %dma_start3A_64 = arith.constant 0 : i32
    %dma_start3A_65 = arith.constant 0 : i32
    %dma_start3A_66 = tpu.memref_slice %arg2[%dma_start3A_64, %dma_start3A_65] : memref<65536x128xf32, #tpu.memory_space<hbm>> -> memref<65536x128xf32, #tpu.memory_space<hbm>>
    tpu.enqueue_indirect_dma source(%dma_start3A_66 : memref<65536x128xf32, #tpu.memory_space<hbm>>) target(%arg7 : memref<256x128xf32, #tpu.memory_space<vmem>>) offsets(%dma_start3A_63 : memref<256xi32, #tpu.memory_space<vmem>>) semaphore(%arg10 : memref<!tpu.dma_semaphore, #tpu.memory_space<semaphore_mem>>)
    %dma_wait3A_67 = arith.constant 768 : i32
    %dma_wait3A_68 = tpu.memref_slice %arg5[%dma_wait3A_67] : memref<2048xi32, #tpu.memory_space<vmem>> -> memref<256xi32, #tpu.memory_space<vmem>>
    %dma_wait3A_69 = arith.constant 0 : i32
    %dma_wait3A_70 = arith.constant 0 : i32
    %dma_wait3A_71 = tpu.memref_slice %arg2[%dma_wait3A_69, %dma_wait3A_70] : memref<65536x128xf32, #tpu.memory_space<hbm>> -> memref<65536x128xf32, #tpu.memory_space<hbm>>
    tpu.wait_indirect_dma semaphore(%arg9 : memref<!tpu.dma_semaphore, #tpu.memory_space<semaphore_mem>>) src(%dma_wait3A_71 : memref<65536x128xf32, #tpu.memory_space<hbm>>) dst(%arg6 : memref<256x128xf32, #tpu.memory_space<vmem>>)
    %add3A_72 = arith.constant 768 : i32
    %add3A_73 = arith.addi %mul3A_2, %add3A_72 : i32
    %dma_start3A_74 = arith.constant 0 : i32
    %dma_start3A_75 = tpu.memref_slice %arg4[%add3A_73, %dma_start3A_74] : memref<65536x128xf32, #tpu.memory_space<hbm>> -> memref<256x128xf32, #tpu.memory_space<hbm>>
    %dma_start3A_76 = arith.constant 0 : i32
    %dma_start3A_77 = tpu.memref_slice %arg4[%add3A_73, %dma_start3A_76] : memref<65536x128xf32, #tpu.memory_space<hbm>> -> memref<256x128xf32, #tpu.memory_space<hbm>>
    tpu.enqueue_dma source(%arg6 : memref<256x128xf32, #tpu.memory_space<vmem>>) target(%dma_start3A_77 : memref<256x128xf32, #tpu.memory_space<hbm>>) target_semaphore(%arg12 : memref<!tpu.dma_semaphore, #tpu.memory_space<semaphore_mem>>)
    %dma_wait3A_78 = arith.constant 0 : i32
    %dma_wait3A_79 = tpu.memref_slice %arg4[%add3A_53, %dma_wait3A_78] : memref<65536x128xf32, #tpu.memory_space<hbm>> -> memref<256x128xf32, #tpu.memory_space<hbm>>
    %dma_wait3A_80 = arith.constant 0 : i32
    %dma_wait3A_81 = tpu.memref_slice %arg4[%add3A_53, %dma_wait3A_80] : memref<65536x128xf32, #tpu.memory_space<hbm>> -> memref<256x128xf32, #tpu.memory_space<hbm>>
    tpu.wait_dma2 semaphore(%arg14 : memref<!tpu.dma_semaphore, #tpu.memory_space<semaphore_mem>>) src(%arg8 : memref<256x128xf32, #tpu.memory_space<vmem>>) dst(%dma_wait3A_81 : memref<256x128xf32, #tpu.memory_space<hbm>>)
    %dma_start3A_82 = arith.constant 1280 : i32
    %dma_start3A_83 = tpu.memref_slice %arg5[%dma_start3A_82] : memref<2048xi32, #tpu.memory_space<vmem>> -> memref<256xi32, #tpu.memory_space<vmem>>
    %dma_start3A_84 = arith.constant 0 : i32
    %dma_start3A_85 = arith.constant 0 : i32
    %dma_start3A_86 = tpu.memref_slice %arg2[%dma_start3A_84, %dma_start3A_85] : memref<65536x128xf32, #tpu.memory_space<hbm>> -> memref<65536x128xf32, #tpu.memory_space<hbm>>
    tpu.enqueue_indirect_dma source(%dma_start3A_86 : memref<65536x128xf32, #tpu.memory_space<hbm>>) target(%arg8 : memref<256x128xf32, #tpu.memory_space<vmem>>) offsets(%dma_start3A_83 : memref<256xi32, #tpu.memory_space<vmem>>) semaphore(%arg11 : memref<!tpu.dma_semaphore, #tpu.memory_space<semaphore_mem>>)
    %dma_wait3A_87 = arith.constant 1024 : i32
    %dma_wait3A_88 = tpu.memref_slice %arg5[%dma_wait3A_87] : memref<2048xi32, #tpu.memory_space<vmem>> -> memref<256xi32, #tpu.memory_space<vmem>>
    %dma_wait3A_89 = arith.constant 0 : i32
    %dma_wait3A_90 = arith.constant 0 : i32
    %dma_wait3A_91 = tpu.memref_slice %arg2[%dma_wait3A_89, %dma_wait3A_90] : memref<65536x128xf32, #tpu.memory_space<hbm>> -> memref<65536x128xf32, #tpu.memory_space<hbm>>
    tpu.wait_indirect_dma semaphore(%arg10 : memref<!tpu.dma_semaphore, #tpu.memory_space<semaphore_mem>>) src(%dma_wait3A_91 : memref<65536x128xf32, #tpu.memory_space<hbm>>) dst(%arg7 : memref<256x128xf32, #tpu.memory_space<vmem>>)
    %add3A_92 = arith.constant 1024 : i32
    %add3A_93 = arith.addi %mul3A_2, %add3A_92 : i32
    %dma_start3A_94 = arith.constant 0 : i32
    %dma_start3A_95 = tpu.memref_slice %arg4[%add3A_93, %dma_start3A_94] : memref<65536x128xf32, #tpu.memory_space<hbm>> -> memref<256x128xf32, #tpu.memory_space<hbm>>
    %dma_start3A_96 = arith.constant 0 : i32
    %dma_start3A_97 = tpu.memref_slice %arg4[%add3A_93, %dma_start3A_96] : memref<65536x128xf32, #tpu.memory_space<hbm>> -> memref<256x128xf32, #tpu.memory_space<hbm>>
    tpu.enqueue_dma source(%arg7 : memref<256x128xf32, #tpu.memory_space<vmem>>) target(%dma_start3A_97 : memref<256x128xf32, #tpu.memory_space<hbm>>) target_semaphore(%arg13 : memref<!tpu.dma_semaphore, #tpu.memory_space<semaphore_mem>>)
    %dma_wait3A_98 = arith.constant 0 : i32
    %dma_wait3A_99 = tpu.memref_slice %arg4[%add3A_73, %dma_wait3A_98] : memref<65536x128xf32, #tpu.memory_space<hbm>> -> memref<256x128xf32, #tpu.memory_space<hbm>>
    %dma_wait3A_100 = arith.constant 0 : i32
    %dma_wait3A_101 = tpu.memref_slice %arg4[%add3A_73, %dma_wait3A_100] : memref<65536x128xf32, #tpu.memory_space<hbm>> -> memref<256x128xf32, #tpu.memory_space<hbm>>
    tpu.wait_dma2 semaphore(%arg12 : memref<!tpu.dma_semaphore, #tpu.memory_space<semaphore_mem>>) src(%arg6 : memref<256x128xf32, #tpu.memory_space<vmem>>) dst(%dma_wait3A_101 : memref<256x128xf32, #tpu.memory_space<hbm>>)
    %dma_start3A_102 = arith.constant 1536 : i32
    %dma_start3A_103 = tpu.memref_slice %arg5[%dma_start3A_102] : memref<2048xi32, #tpu.memory_space<vmem>> -> memref<256xi32, #tpu.memory_space<vmem>>
    %dma_start3A_104 = arith.constant 0 : i32
    %dma_start3A_105 = arith.constant 0 : i32
    %dma_start3A_106 = tpu.memref_slice %arg2[%dma_start3A_104, %dma_start3A_105] : memref<65536x128xf32, #tpu.memory_space<hbm>> -> memref<65536x128xf32, #tpu.memory_space<hbm>>
    tpu.enqueue_indirect_dma source(%dma_start3A_106 : memref<65536x128xf32, #tpu.memory_space<hbm>>) target(%arg6 : memref<256x128xf32, #tpu.memory_space<vmem>>) offsets(%dma_start3A_103 : memref<256xi32, #tpu.memory_space<vmem>>) semaphore(%arg9 : memref<!tpu.dma_semaphore, #tpu.memory_space<semaphore_mem>>)
    %dma_wait3A_107 = arith.constant 1280 : i32
    %dma_wait3A_108 = tpu.memref_slice %arg5[%dma_wait3A_107] : memref<2048xi32, #tpu.memory_space<vmem>> -> memref<256xi32, #tpu.memory_space<vmem>>
    %dma_wait3A_109 = arith.constant 0 : i32
    %dma_wait3A_110 = arith.constant 0 : i32
    %dma_wait3A_111 = tpu.memref_slice %arg2[%dma_wait3A_109, %dma_wait3A_110] : memref<65536x128xf32, #tpu.memory_space<hbm>> -> memref<65536x128xf32, #tpu.memory_space<hbm>>
    tpu.wait_indirect_dma semaphore(%arg11 : memref<!tpu.dma_semaphore, #tpu.memory_space<semaphore_mem>>) src(%dma_wait3A_111 : memref<65536x128xf32, #tpu.memory_space<hbm>>) dst(%arg8 : memref<256x128xf32, #tpu.memory_space<vmem>>)
    %add3A_112 = arith.constant 1280 : i32
    %add3A_113 = arith.addi %mul3A_2, %add3A_112 : i32
    %dma_start3A_114 = arith.constant 0 : i32
    %dma_start3A_115 = tpu.memref_slice %arg4[%add3A_113, %dma_start3A_114] : memref<65536x128xf32, #tpu.memory_space<hbm>> -> memref<256x128xf32, #tpu.memory_space<hbm>>
    %dma_start3A_116 = arith.constant 0 : i32
    %dma_start3A_117 = tpu.memref_slice %arg4[%add3A_113, %dma_start3A_116] : memref<65536x128xf32, #tpu.memory_space<hbm>> -> memref<256x128xf32, #tpu.memory_space<hbm>>
    tpu.enqueue_dma source(%arg8 : memref<256x128xf32, #tpu.memory_space<vmem>>) target(%dma_start3A_117 : memref<256x128xf32, #tpu.memory_space<hbm>>) target_semaphore(%arg14 : memref<!tpu.dma_semaphore, #tpu.memory_space<semaphore_mem>>)
    %dma_wait3A_118 = arith.constant 0 : i32
    %dma_wait3A_119 = tpu.memref_slice %arg4[%add3A_93, %dma_wait3A_118] : memref<65536x128xf32, #tpu.memory_space<hbm>> -> memref<256x128xf32, #tpu.memory_space<hbm>>
    %dma_wait3A_120 = arith.constant 0 : i32
    %dma_wait3A_121 = tpu.memref_slice %arg4[%add3A_93, %dma_wait3A_120] : memref<65536x128xf32, #tpu.memory_space<hbm>> -> memref<256x128xf32, #tpu.memory_space<hbm>>
    tpu.wait_dma2 semaphore(%arg13 : memref<!tpu.dma_semaphore, #tpu.memory_space<semaphore_mem>>) src(%arg7 : memref<256x128xf32, #tpu.memory_space<vmem>>) dst(%dma_wait3A_121 : memref<256x128xf32, #tpu.memory_space<hbm>>)
    %dma_start3A_122 = arith.constant 1792 : i32
    %dma_start3A_123 = tpu.memref_slice %arg5[%dma_start3A_122] : memref<2048xi32, #tpu.memory_space<vmem>> -> memref<256xi32, #tpu.memory_space<vmem>>
    %dma_start3A_124 = arith.constant 0 : i32
    %dma_start3A_125 = arith.constant 0 : i32
    %dma_start3A_126 = tpu.memref_slice %arg2[%dma_start3A_124, %dma_start3A_125] : memref<65536x128xf32, #tpu.memory_space<hbm>> -> memref<65536x128xf32, #tpu.memory_space<hbm>>
    tpu.enqueue_indirect_dma source(%dma_start3A_126 : memref<65536x128xf32, #tpu.memory_space<hbm>>) target(%arg7 : memref<256x128xf32, #tpu.memory_space<vmem>>) offsets(%dma_start3A_123 : memref<256xi32, #tpu.memory_space<vmem>>) semaphore(%arg10 : memref<!tpu.dma_semaphore, #tpu.memory_space<semaphore_mem>>)
    %dma_wait3A_127 = arith.constant 1536 : i32
    %dma_wait3A_128 = tpu.memref_slice %arg5[%dma_wait3A_127] : memref<2048xi32, #tpu.memory_space<vmem>> -> memref<256xi32, #tpu.memory_space<vmem>>
    %dma_wait3A_129 = arith.constant 0 : i32
    %dma_wait3A_130 = arith.constant 0 : i32
    %dma_wait3A_131 = tpu.memref_slice %arg2[%dma_wait3A_129, %dma_wait3A_130] : memref<65536x128xf32, #tpu.memory_space<hbm>> -> memref<65536x128xf32, #tpu.memory_space<hbm>>
    tpu.wait_indirect_dma semaphore(%arg9 : memref<!tpu.dma_semaphore, #tpu.memory_space<semaphore_mem>>) src(%dma_wait3A_131 : memref<65536x128xf32, #tpu.memory_space<hbm>>) dst(%arg6 : memref<256x128xf32, #tpu.memory_space<vmem>>)
    %add3A_132 = arith.constant 1536 : i32
    %add3A_133 = arith.addi %mul3A_2, %add3A_132 : i32
    %dma_start3A_134 = arith.constant 0 : i32
    %dma_start3A_135 = tpu.memref_slice %arg4[%add3A_133, %dma_start3A_134] : memref<65536x128xf32, #tpu.memory_space<hbm>> -> memref<256x128xf32, #tpu.memory_space<hbm>>
    %dma_start3A_136 = arith.constant 0 : i32
    %dma_start3A_137 = tpu.memref_slice %arg4[%add3A_133, %dma_start3A_136] : memref<65536x128xf32, #tpu.memory_space<hbm>> -> memref<256x128xf32, #tpu.memory_space<hbm>>
    tpu.enqueue_dma source(%arg6 : memref<256x128xf32, #tpu.memory_space<vmem>>) target(%dma_start3A_137 : memref<256x128xf32, #tpu.memory_space<hbm>>) target_semaphore(%arg12 : memref<!tpu.dma_semaphore, #tpu.memory_space<semaphore_mem>>)
    %dma_wait3A_138 = arith.constant 1792 : i32
    %dma_wait3A_139 = tpu.memref_slice %arg5[%dma_wait3A_138] : memref<2048xi32, #tpu.memory_space<vmem>> -> memref<256xi32, #tpu.memory_space<vmem>>
    %dma_wait3A_140 = arith.constant 0 : i32
    %dma_wait3A_141 = arith.constant 0 : i32
    %dma_wait3A_142 = tpu.memref_slice %arg2[%dma_wait3A_140, %dma_wait3A_141] : memref<65536x128xf32, #tpu.memory_space<hbm>> -> memref<65536x128xf32, #tpu.memory_space<hbm>>
    tpu.wait_indirect_dma semaphore(%arg10 : memref<!tpu.dma_semaphore, #tpu.memory_space<semaphore_mem>>) src(%dma_wait3A_142 : memref<65536x128xf32, #tpu.memory_space<hbm>>) dst(%arg7 : memref<256x128xf32, #tpu.memory_space<vmem>>)
    %add3A_143 = arith.constant 1792 : i32
    %add3A_144 = arith.addi %mul3A_2, %add3A_143 : i32
    %dma_start3A_145 = arith.constant 0 : i32
    %dma_start3A_146 = tpu.memref_slice %arg4[%add3A_144, %dma_start3A_145] : memref<65536x128xf32, #tpu.memory_space<hbm>> -> memref<256x128xf32, #tpu.memory_space<hbm>>
    %dma_start3A_147 = arith.constant 0 : i32
    %dma_start3A_148 = tpu.memref_slice %arg4[%add3A_144, %dma_start3A_147] : memref<65536x128xf32, #tpu.memory_space<hbm>> -> memref<256x128xf32, #tpu.memory_space<hbm>>
    tpu.enqueue_dma source(%arg7 : memref<256x128xf32, #tpu.memory_space<vmem>>) target(%dma_start3A_148 : memref<256x128xf32, #tpu.memory_space<hbm>>) target_semaphore(%arg13 : memref<!tpu.dma_semaphore, #tpu.memory_space<semaphore_mem>>)
    %dma_wait3A_149 = arith.constant 0 : i32
    %dma_wait3A_150 = tpu.memref_slice %arg4[%add3A_133, %dma_wait3A_149] : memref<65536x128xf32, #tpu.memory_space<hbm>> -> memref<256x128xf32, #tpu.memory_space<hbm>>
    %dma_wait3A_151 = arith.constant 0 : i32
    %dma_wait3A_152 = tpu.memref_slice %arg4[%add3A_133, %dma_wait3A_151] : memref<65536x128xf32, #tpu.memory_space<hbm>> -> memref<256x128xf32, #tpu.memory_space<hbm>>
    tpu.wait_dma2 semaphore(%arg12 : memref<!tpu.dma_semaphore, #tpu.memory_space<semaphore_mem>>) src(%arg6 : memref<256x128xf32, #tpu.memory_space<vmem>>) dst(%dma_wait3A_152 : memref<256x128xf32, #tpu.memory_space<hbm>>)
    %dma_wait3A_153 = arith.constant 0 : i32
    %dma_wait3A_154 = tpu.memref_slice %arg4[%add3A_144, %dma_wait3A_153] : memref<65536x128xf32, #tpu.memory_space<hbm>> -> memref<256x128xf32, #tpu.memory_space<hbm>>
    %dma_wait3A_155 = arith.constant 0 : i32
    %dma_wait3A_156 = tpu.memref_slice %arg4[%add3A_144, %dma_wait3A_155] : memref<65536x128xf32, #tpu.memory_space<hbm>> -> memref<256x128xf32, #tpu.memory_space<hbm>>
    tpu.wait_dma2 semaphore(%arg13 : memref<!tpu.dma_semaphore, #tpu.memory_space<semaphore_mem>>) src(%arg7 : memref<256x128xf32, #tpu.memory_space<vmem>>) dst(%dma_wait3A_156 : memref<256x128xf32, #tpu.memory_space<hbm>>)
    %dma_wait3A_157 = arith.constant 0 : i32
    %dma_wait3A_158 = tpu.memref_slice %arg4[%add3A_113, %dma_wait3A_157] : memref<65536x128xf32, #tpu.memory_space<hbm>> -> memref<256x128xf32, #tpu.memory_space<hbm>>
    %dma_wait3A_159 = arith.constant 0 : i32
    %dma_wait3A_160 = tpu.memref_slice %arg4[%add3A_113, %dma_wait3A_159] : memref<65536x128xf32, #tpu.memory_space<hbm>> -> memref<256x128xf32, #tpu.memory_space<hbm>>
    tpu.wait_dma2 semaphore(%arg14 : memref<!tpu.dma_semaphore, #tpu.memory_space<semaphore_mem>>) src(%arg8 : memref<256x128xf32, #tpu.memory_space<vmem>>) dst(%dma_wait3A_160 : memref<256x128xf32, #tpu.memory_space<hbm>>)
    return
  }
}

module attributes {stable_mosaic.version = 14 : i64} {
  func.func @_sample_body(%arg0: i32, %arg1: memref<128x512xf32, #tpu.memory_space<vmem>>, %arg2: memref<128x512xf32, #tpu.memory_space<vmem>>, %arg3: memref<1024x512xf32, #tpu.memory_space<vmem>>, %arg4: memref<8x1x512xi32, #tpu.memory_space<vmem>>, %arg5: memref<8x1x512xf32, #tpu.memory_space<vmem>>, %arg6: memref<1x512xf32, #tpu.memory_space<vmem>>, %arg7: memref<1x512xf32, #tpu.memory_space<vmem>>, %arg8: memref<1x512xf32, #tpu.memory_space<vmem>>) attributes {dimension_semantics = [#tpu.dimension_semantics<arbitrary>], iteration_bounds = array<i64: 16>, scalar_prefetch = 0 : i64, scratch_operands = 2 : i64, tpu.core_type = #tpu.core_type<tc>, window_params = [{pipeline_mode = #tpu.pipeline_mode<synchronous>, transform_indices = @transform_0, window_bounds = array<i64: 128, 512>}, {pipeline_mode = #tpu.pipeline_mode<synchronous>, transform_indices = @transform_1, window_bounds = array<i64: 128, 512>}, {transform_indices = @transform_2, window_bounds = array<i64: 1024, 512>}, {transform_indices = @transform_3, window_bounds = array<i64: 8, 1, 512>}, {transform_indices = @transform_4, window_bounds = array<i64: 8, 1, 512>}, {pipeline_mode = #tpu.pipeline_mode<synchronous>, transform_indices = @transform_5, window_bounds = array<i64: 1, 512>}]} {
    %get3A = arith.constant 0 : index
    %get3A_0 = arith.constant 0 : index
    %get3A_1 = vector.load %arg1[%get3A, %get3A_0] : memref<128x512xf32, #tpu.memory_space<vmem>>, vector<128x512xf32>
    %get3A_2 = arith.constant 0 : index
    %get3A_3 = arith.constant 0 : index
    %get3A_4 = vector.load %arg2[%get3A_2, %get3A_3] : memref<128x512xf32, #tpu.memory_space<vmem>>, vector<128x512xf32>
    %sub3A = arith.subf %get3A_4, %get3A_1 : vector<128x512xf32>
    %iota3A = tpu.iota {dimensions = array<i32: 0>} : vector<128x512xi32>
    %iota3A_5 = tpu.iota {dimensions = array<i32: 1>} : vector<1x512xi32>
    %eq3A = arith.constant 0 : i32
    %eq3A_6 = arith.cmpi eq, %arg0, %eq3A : i32
    %convert_element_type3A = arith.extui %eq3A_6 : i1 to i32
    %cond3A = arith.constant 0 : i32
    %cond3A_7 = arith.cmpi ne, %convert_element_type3A, %cond3A : i32
    scf.if %cond3A_7 {
      %broadcast_in_dim3A_383 = arith.constant 0xFF800000 : f32
      %broadcast_in_dim3A_384 = vector.broadcast %broadcast_in_dim3A_383 : f32 to vector<1x512xf32>
      %swap3A_385 = arith.constant 0 : index
      %swap3A_386 = arith.constant 0 : index
      %swap3A_387 = vector.load %arg7[%swap3A_385, %swap3A_386] : memref<1x512xf32, #tpu.memory_space<vmem>>, vector<1x512xf32>
      tpu.vector_store %arg7[%swap3A_385, %swap3A_386], %broadcast_in_dim3A_384 {strides = array<i32>} : memref<1x512xf32, #tpu.memory_space<vmem>>, vector<1x512xf32>,
      %broadcast_in_dim3A_388 = arith.constant 0.000000e+00 : f32
      %broadcast_in_dim3A_389 = vector.broadcast %broadcast_in_dim3A_388 : f32 to vector<1x512xf32>
      %swap3A_390 = arith.constant 0 : index
      %swap3A_391 = arith.constant 0 : index
      %swap3A_392 = vector.load %arg8[%swap3A_390, %swap3A_391] : memref<1x512xf32, #tpu.memory_space<vmem>>, vector<1x512xf32>
      tpu.vector_store %arg8[%swap3A_390, %swap3A_391], %broadcast_in_dim3A_389 {strides = array<i32>} : memref<1x512xf32, #tpu.memory_space<vmem>>, vector<1x512xf32>,
    } else {
    }
    %get3A_8 = arith.constant 0 : index
    %get3A_9 = arith.constant 0 : index
    %get3A_10 = vector.load %arg7[%get3A_8, %get3A_9] : memref<1x512xf32, #tpu.memory_space<vmem>>, vector<1x512xf32>
    %get3A_11 = arith.constant 0 : index
    %get3A_12 = arith.constant 0 : index
    %get3A_13 = vector.load %arg8[%get3A_11, %get3A_12] : memref<1x512xf32, #tpu.memory_space<vmem>>, vector<1x512xf32>
    %get3A_14 = arith.constant 0 : index
    %get3A_15 = arith.constant 0 : index
    %get3A_16 = vector.load %arg3[%get3A_14, %get3A_15] : memref<1024x512xf32, #tpu.memory_space<vmem>>, vector<128x512xf32>
    %add3A = arith.addf %get3A_1, %get3A_16 : vector<128x512xf32>
    %reduce_max3A = arith.constant dense<0xFF800000> : vector<512xf32>
    %reduce_max3A_17 = vector.multi_reduction <maximumf>, %add3A, %reduce_max3A [0] : vector<128x512xf32> to vector<512xf32>
    %broadcast_in_dim3A = vector.shape_cast %reduce_max3A_17 : vector<512xf32> to vector<1x512xf32>
    %eq3A_18 = vector.broadcast %broadcast_in_dim3A : vector<1x512xf32> to vector<128x512xf32>
    %eq3A_19 = arith.cmpf oeq, %add3A, %eq3A_18 : vector<128x512xf32>
    %jit3A = arith.constant 2147483647 : i32
    %broadcast_in_dim3A_20 = vector.broadcast %jit3A : i32 to vector<128x512xi32>
    %select_n3A = arith.select %eq3A_19, %iota3A, %broadcast_in_dim3A_20 : vector<128x512xi1>, vector<128x512xi32>
    %reduce_min3A = arith.constant dense<2147483647> : vector<512xi32>
    %reduce_min3A_21 = vector.multi_reduction <minsi>, %select_n3A, %reduce_min3A [0] : vector<128x512xi32> to vector<512xi32>
    %broadcast_in_dim3A_22 = vector.shape_cast %reduce_min3A_21 : vector<512xi32> to vector<1x512xi32>
    %eq3A_23 = vector.broadcast %broadcast_in_dim3A_22 : vector<1x512xi32> to vector<128x512xi32>
    %eq3A_24 = arith.cmpi eq, %iota3A, %eq3A_23 : vector<128x512xi32>
    %jit3A_25 = arith.constant 0xFF800000 : f32
    %broadcast_in_dim3A_26 = vector.broadcast %jit3A_25 : f32 to vector<128x512xf32>
    %select_n3A_27 = arith.select %eq3A_24, %sub3A, %broadcast_in_dim3A_26 : vector<128x512xi1>, vector<128x512xf32>
    %reduce_max3A_28 = arith.constant dense<0xFF800000> : vector<512xf32>
    %reduce_max3A_29 = vector.multi_reduction <maximumf>, %select_n3A_27, %reduce_max3A_28 [0] : vector<128x512xf32> to vector<512xf32>
    %broadcast_in_dim3A_30 = vector.shape_cast %reduce_max3A_29 : vector<512xf32> to vector<1x512xf32>
    %mul3A = arith.constant 512 : i32
    %mul3A_31 = vector.broadcast %mul3A : i32 to vector<1x512xi32>
    %mul3A_32 = arith.muli %broadcast_in_dim3A_22, %mul3A_31 : vector<1x512xi32>
    %add3A_33 = arith.addi %mul3A_32, %iota3A_5 : vector<1x512xi32>
    %swap3A = arith.constant 0 : index
    %swap3A_34 = arith.constant 0 : index
    %swap3A_35 = arith.constant 0 : index
    %swap3A_36 = vector.load %arg4[%swap3A, %swap3A_34, %swap3A_35] : memref<8x1x512xi32, #tpu.memory_space<vmem>>, vector<1x1x512xi32>
    %swap3A_37 = vector.shape_cast %swap3A_36 : vector<1x1x512xi32> to vector<1x512xi32>
    %swap3A_38 = vector.shape_cast %add3A_33 : vector<1x512xi32> to vector<1x1x512xi32>
    tpu.vector_store %arg4[%swap3A, %swap3A_34, %swap3A_35], %swap3A_38 {strides = array<i32>} : memref<8x1x512xi32, #tpu.memory_space<vmem>>, vector<1x1x512xi32>,
    %swap3A_39 = arith.constant 0 : index
    %swap3A_40 = arith.constant 0 : index
    %swap3A_41 = arith.constant 0 : index
    %swap3A_42 = vector.load %arg5[%swap3A_39, %swap3A_40, %swap3A_41] : memref<8x1x512xf32, #tpu.memory_space<vmem>>, vector<1x1x512xf32>
    %swap3A_43 = vector.shape_cast %swap3A_42 : vector<1x1x512xf32> to vector<1x512xf32>
    %swap3A_44 = vector.shape_cast %broadcast_in_dim3A_30 : vector<1x512xf32> to vector<1x1x512xf32>
    tpu.vector_store %arg5[%swap3A_39, %swap3A_40, %swap3A_41], %swap3A_44 {strides = array<i32>} : memref<8x1x512xf32, #tpu.memory_space<vmem>>, vector<1x1x512xf32>,
    %max3A = arith.maximumf %get3A_10, %broadcast_in_dim3A_30 : vector<1x512xf32>
    %sub3A_45 = arith.subf %get3A_10, %max3A : vector<1x512xf32>
    %exp3A = math.exp %sub3A_45 : vector<1x512xf32>
    %mul3A_46 = arith.mulf %get3A_13, %exp3A : vector<1x512xf32>
    %sub3A_47 = arith.subf %broadcast_in_dim3A_30, %max3A : vector<1x512xf32>
    %exp3A_48 = math.exp %sub3A_47 : vector<1x512xf32>
    %add3A_49 = arith.addf %mul3A_46, %exp3A_48 : vector<1x512xf32>
    %get3A_50 = arith.constant 128 : index
    %get3A_51 = arith.constant 0 : index
    %get3A_52 = vector.load %arg3[%get3A_50, %get3A_51] : memref<1024x512xf32, #tpu.memory_space<vmem>>, vector<128x512xf32>
    %add3A_53 = arith.addf %get3A_1, %get3A_52 : vector<128x512xf32>
    %reduce_max3A_54 = arith.constant dense<0xFF800000> : vector<512xf32>
    %reduce_max3A_55 = vector.multi_reduction <maximumf>, %add3A_53, %reduce_max3A_54 [0] : vector<128x512xf32> to vector<512xf32>
    %broadcast_in_dim3A_56 = vector.shape_cast %reduce_max3A_55 : vector<512xf32> to vector<1x512xf32>
    %eq3A_57 = vector.broadcast %broadcast_in_dim3A_56 : vector<1x512xf32> to vector<128x512xf32>
    %eq3A_58 = arith.cmpf oeq, %add3A_53, %eq3A_57 : vector<128x512xf32>
    %jit3A_59 = arith.constant 2147483647 : i32
    %broadcast_in_dim3A_60 = vector.broadcast %jit3A_59 : i32 to vector<128x512xi32>
    %select_n3A_61 = arith.select %eq3A_58, %iota3A, %broadcast_in_dim3A_60 : vector<128x512xi1>, vector<128x512xi32>
    %reduce_min3A_62 = arith.constant dense<2147483647> : vector<512xi32>
    %reduce_min3A_63 = vector.multi_reduction <minsi>, %select_n3A_61, %reduce_min3A_62 [0] : vector<128x512xi32> to vector<512xi32>
    %broadcast_in_dim3A_64 = vector.shape_cast %reduce_min3A_63 : vector<512xi32> to vector<1x512xi32>
    %eq3A_65 = vector.broadcast %broadcast_in_dim3A_64 : vector<1x512xi32> to vector<128x512xi32>
    %eq3A_66 = arith.cmpi eq, %iota3A, %eq3A_65 : vector<128x512xi32>
    %jit3A_67 = arith.constant 0xFF800000 : f32
    %broadcast_in_dim3A_68 = vector.broadcast %jit3A_67 : f32 to vector<128x512xf32>
    %select_n3A_69 = arith.select %eq3A_66, %sub3A, %broadcast_in_dim3A_68 : vector<128x512xi1>, vector<128x512xf32>
    %reduce_max3A_70 = arith.constant dense<0xFF800000> : vector<512xf32>
    %reduce_max3A_71 = vector.multi_reduction <maximumf>, %select_n3A_69, %reduce_max3A_70 [0] : vector<128x512xf32> to vector<512xf32>
    %broadcast_in_dim3A_72 = vector.shape_cast %reduce_max3A_71 : vector<512xf32> to vector<1x512xf32>
    %mul3A_73 = arith.constant 512 : i32
    %mul3A_74 = vector.broadcast %mul3A_73 : i32 to vector<1x512xi32>
    %mul3A_75 = arith.muli %broadcast_in_dim3A_64, %mul3A_74 : vector<1x512xi32>
    %add3A_76 = arith.addi %mul3A_75, %iota3A_5 : vector<1x512xi32>
    %swap3A_77 = arith.constant 1 : index
    %swap3A_78 = arith.constant 0 : index
    %swap3A_79 = arith.constant 0 : index
    %swap3A_80 = vector.load %arg4[%swap3A_77, %swap3A_78, %swap3A_79] : memref<8x1x512xi32, #tpu.memory_space<vmem>>, vector<1x1x512xi32>
    %swap3A_81 = vector.shape_cast %swap3A_80 : vector<1x1x512xi32> to vector<1x512xi32>
    %swap3A_82 = vector.shape_cast %add3A_76 : vector<1x512xi32> to vector<1x1x512xi32>
    tpu.vector_store %arg4[%swap3A_77, %swap3A_78, %swap3A_79], %swap3A_82 {strides = array<i32>} : memref<8x1x512xi32, #tpu.memory_space<vmem>>, vector<1x1x512xi32>,
    %swap3A_83 = arith.constant 1 : index
    %swap3A_84 = arith.constant 0 : index
    %swap3A_85 = arith.constant 0 : index
    %swap3A_86 = vector.load %arg5[%swap3A_83, %swap3A_84, %swap3A_85] : memref<8x1x512xf32, #tpu.memory_space<vmem>>, vector<1x1x512xf32>
    %swap3A_87 = vector.shape_cast %swap3A_86 : vector<1x1x512xf32> to vector<1x512xf32>
    %swap3A_88 = vector.shape_cast %broadcast_in_dim3A_72 : vector<1x512xf32> to vector<1x1x512xf32>
    tpu.vector_store %arg5[%swap3A_83, %swap3A_84, %swap3A_85], %swap3A_88 {strides = array<i32>} : memref<8x1x512xf32, #tpu.memory_space<vmem>>, vector<1x1x512xf32>,
    %max3A_89 = arith.maximumf %max3A, %broadcast_in_dim3A_72 : vector<1x512xf32>
    %sub3A_90 = arith.subf %max3A, %max3A_89 : vector<1x512xf32>
    %exp3A_91 = math.exp %sub3A_90 : vector<1x512xf32>
    %mul3A_92 = arith.mulf %add3A_49, %exp3A_91 : vector<1x512xf32>
    %sub3A_93 = arith.subf %broadcast_in_dim3A_72, %max3A_89 : vector<1x512xf32>
    %exp3A_94 = math.exp %sub3A_93 : vector<1x512xf32>
    %add3A_95 = arith.addf %mul3A_92, %exp3A_94 : vector<1x512xf32>
    %get3A_96 = arith.constant 256 : index
    %get3A_97 = arith.constant 0 : index
    %get3A_98 = vector.load %arg3[%get3A_96, %get3A_97] : memref<1024x512xf32, #tpu.memory_space<vmem>>, vector<128x512xf32>
    %add3A_99 = arith.addf %get3A_1, %get3A_98 : vector<128x512xf32>
    %reduce_max3A_100 = arith.constant dense<0xFF800000> : vector<512xf32>
    %reduce_max3A_101 = vector.multi_reduction <maximumf>, %add3A_99, %reduce_max3A_100 [0] : vector<128x512xf32> to vector<512xf32>
    %broadcast_in_dim3A_102 = vector.shape_cast %reduce_max3A_101 : vector<512xf32> to vector<1x512xf32>
    %eq3A_103 = vector.broadcast %broadcast_in_dim3A_102 : vector<1x512xf32> to vector<128x512xf32>
    %eq3A_104 = arith.cmpf oeq, %add3A_99, %eq3A_103 : vector<128x512xf32>
    %jit3A_105 = arith.constant 2147483647 : i32
    %broadcast_in_dim3A_106 = vector.broadcast %jit3A_105 : i32 to vector<128x512xi32>
    %select_n3A_107 = arith.select %eq3A_104, %iota3A, %broadcast_in_dim3A_106 : vector<128x512xi1>, vector<128x512xi32>
    %reduce_min3A_108 = arith.constant dense<2147483647> : vector<512xi32>
    %reduce_min3A_109 = vector.multi_reduction <minsi>, %select_n3A_107, %reduce_min3A_108 [0] : vector<128x512xi32> to vector<512xi32>
    %broadcast_in_dim3A_110 = vector.shape_cast %reduce_min3A_109 : vector<512xi32> to vector<1x512xi32>
    %eq3A_111 = vector.broadcast %broadcast_in_dim3A_110 : vector<1x512xi32> to vector<128x512xi32>
    %eq3A_112 = arith.cmpi eq, %iota3A, %eq3A_111 : vector<128x512xi32>
    %jit3A_113 = arith.constant 0xFF800000 : f32
    %broadcast_in_dim3A_114 = vector.broadcast %jit3A_113 : f32 to vector<128x512xf32>
    %select_n3A_115 = arith.select %eq3A_112, %sub3A, %broadcast_in_dim3A_114 : vector<128x512xi1>, vector<128x512xf32>
    %reduce_max3A_116 = arith.constant dense<0xFF800000> : vector<512xf32>
    %reduce_max3A_117 = vector.multi_reduction <maximumf>, %select_n3A_115, %reduce_max3A_116 [0] : vector<128x512xf32> to vector<512xf32>
    %broadcast_in_dim3A_118 = vector.shape_cast %reduce_max3A_117 : vector<512xf32> to vector<1x512xf32>
    %mul3A_119 = arith.constant 512 : i32
    %mul3A_120 = vector.broadcast %mul3A_119 : i32 to vector<1x512xi32>
    %mul3A_121 = arith.muli %broadcast_in_dim3A_110, %mul3A_120 : vector<1x512xi32>
    %add3A_122 = arith.addi %mul3A_121, %iota3A_5 : vector<1x512xi32>
    %swap3A_123 = arith.constant 2 : index
    %swap3A_124 = arith.constant 0 : index
    %swap3A_125 = arith.constant 0 : index
    %swap3A_126 = vector.load %arg4[%swap3A_123, %swap3A_124, %swap3A_125] : memref<8x1x512xi32, #tpu.memory_space<vmem>>, vector<1x1x512xi32>
    %swap3A_127 = vector.shape_cast %swap3A_126 : vector<1x1x512xi32> to vector<1x512xi32>
    %swap3A_128 = vector.shape_cast %add3A_122 : vector<1x512xi32> to vector<1x1x512xi32>
    tpu.vector_store %arg4[%swap3A_123, %swap3A_124, %swap3A_125], %swap3A_128 {strides = array<i32>} : memref<8x1x512xi32, #tpu.memory_space<vmem>>, vector<1x1x512xi32>,
    %swap3A_129 = arith.constant 2 : index
    %swap3A_130 = arith.constant 0 : index
    %swap3A_131 = arith.constant 0 : index
    %swap3A_132 = vector.load %arg5[%swap3A_129, %swap3A_130, %swap3A_131] : memref<8x1x512xf32, #tpu.memory_space<vmem>>, vector<1x1x512xf32>
    %swap3A_133 = vector.shape_cast %swap3A_132 : vector<1x1x512xf32> to vector<1x512xf32>
    %swap3A_134 = vector.shape_cast %broadcast_in_dim3A_118 : vector<1x512xf32> to vector<1x1x512xf32>
    tpu.vector_store %arg5[%swap3A_129, %swap3A_130, %swap3A_131], %swap3A_134 {strides = array<i32>} : memref<8x1x512xf32, #tpu.memory_space<vmem>>, vector<1x1x512xf32>,
    %max3A_135 = arith.maximumf %max3A_89, %broadcast_in_dim3A_118 : vector<1x512xf32>
    %sub3A_136 = arith.subf %max3A_89, %max3A_135 : vector<1x512xf32>
    %exp3A_137 = math.exp %sub3A_136 : vector<1x512xf32>
    %mul3A_138 = arith.mulf %add3A_95, %exp3A_137 : vector<1x512xf32>
    %sub3A_139 = arith.subf %broadcast_in_dim3A_118, %max3A_135 : vector<1x512xf32>
    %exp3A_140 = math.exp %sub3A_139 : vector<1x512xf32>
    %add3A_141 = arith.addf %mul3A_138, %exp3A_140 : vector<1x512xf32>
    %get3A_142 = arith.constant 384 : index
    %get3A_143 = arith.constant 0 : index
    %get3A_144 = vector.load %arg3[%get3A_142, %get3A_143] : memref<1024x512xf32, #tpu.memory_space<vmem>>, vector<128x512xf32>
    %add3A_145 = arith.addf %get3A_1, %get3A_144 : vector<128x512xf32>
    %reduce_max3A_146 = arith.constant dense<0xFF800000> : vector<512xf32>
    %reduce_max3A_147 = vector.multi_reduction <maximumf>, %add3A_145, %reduce_max3A_146 [0] : vector<128x512xf32> to vector<512xf32>
    %broadcast_in_dim3A_148 = vector.shape_cast %reduce_max3A_147 : vector<512xf32> to vector<1x512xf32>
    %eq3A_149 = vector.broadcast %broadcast_in_dim3A_148 : vector<1x512xf32> to vector<128x512xf32>
    %eq3A_150 = arith.cmpf oeq, %add3A_145, %eq3A_149 : vector<128x512xf32>
    %jit3A_151 = arith.constant 2147483647 : i32
    %broadcast_in_dim3A_152 = vector.broadcast %jit3A_151 : i32 to vector<128x512xi32>
    %select_n3A_153 = arith.select %eq3A_150, %iota3A, %broadcast_in_dim3A_152 : vector<128x512xi1>, vector<128x512xi32>
    %reduce_min3A_154 = arith.constant dense<2147483647> : vector<512xi32>
    %reduce_min3A_155 = vector.multi_reduction <minsi>, %select_n3A_153, %reduce_min3A_154 [0] : vector<128x512xi32> to vector<512xi32>
    %broadcast_in_dim3A_156 = vector.shape_cast %reduce_min3A_155 : vector<512xi32> to vector<1x512xi32>
    %eq3A_157 = vector.broadcast %broadcast_in_dim3A_156 : vector<1x512xi32> to vector<128x512xi32>
    %eq3A_158 = arith.cmpi eq, %iota3A, %eq3A_157 : vector<128x512xi32>
    %jit3A_159 = arith.constant 0xFF800000 : f32
    %broadcast_in_dim3A_160 = vector.broadcast %jit3A_159 : f32 to vector<128x512xf32>
    %select_n3A_161 = arith.select %eq3A_158, %sub3A, %broadcast_in_dim3A_160 : vector<128x512xi1>, vector<128x512xf32>
    %reduce_max3A_162 = arith.constant dense<0xFF800000> : vector<512xf32>
    %reduce_max3A_163 = vector.multi_reduction <maximumf>, %select_n3A_161, %reduce_max3A_162 [0] : vector<128x512xf32> to vector<512xf32>
    %broadcast_in_dim3A_164 = vector.shape_cast %reduce_max3A_163 : vector<512xf32> to vector<1x512xf32>
    %mul3A_165 = arith.constant 512 : i32
    %mul3A_166 = vector.broadcast %mul3A_165 : i32 to vector<1x512xi32>
    %mul3A_167 = arith.muli %broadcast_in_dim3A_156, %mul3A_166 : vector<1x512xi32>
    %add3A_168 = arith.addi %mul3A_167, %iota3A_5 : vector<1x512xi32>
    %swap3A_169 = arith.constant 3 : index
    %swap3A_170 = arith.constant 0 : index
    %swap3A_171 = arith.constant 0 : index
    %swap3A_172 = vector.load %arg4[%swap3A_169, %swap3A_170, %swap3A_171] : memref<8x1x512xi32, #tpu.memory_space<vmem>>, vector<1x1x512xi32>
    %swap3A_173 = vector.shape_cast %swap3A_172 : vector<1x1x512xi32> to vector<1x512xi32>
    %swap3A_174 = vector.shape_cast %add3A_168 : vector<1x512xi32> to vector<1x1x512xi32>
    tpu.vector_store %arg4[%swap3A_169, %swap3A_170, %swap3A_171], %swap3A_174 {strides = array<i32>} : memref<8x1x512xi32, #tpu.memory_space<vmem>>, vector<1x1x512xi32>,
    %swap3A_175 = arith.constant 3 : index
    %swap3A_176 = arith.constant 0 : index
    %swap3A_177 = arith.constant 0 : index
    %swap3A_178 = vector.load %arg5[%swap3A_175, %swap3A_176, %swap3A_177] : memref<8x1x512xf32, #tpu.memory_space<vmem>>, vector<1x1x512xf32>
    %swap3A_179 = vector.shape_cast %swap3A_178 : vector<1x1x512xf32> to vector<1x512xf32>
    %swap3A_180 = vector.shape_cast %broadcast_in_dim3A_164 : vector<1x512xf32> to vector<1x1x512xf32>
    tpu.vector_store %arg5[%swap3A_175, %swap3A_176, %swap3A_177], %swap3A_180 {strides = array<i32>} : memref<8x1x512xf32, #tpu.memory_space<vmem>>, vector<1x1x512xf32>,
    %max3A_181 = arith.maximumf %max3A_135, %broadcast_in_dim3A_164 : vector<1x512xf32>
    %sub3A_182 = arith.subf %max3A_135, %max3A_181 : vector<1x512xf32>
    %exp3A_183 = math.exp %sub3A_182 : vector<1x512xf32>
    %mul3A_184 = arith.mulf %add3A_141, %exp3A_183 : vector<1x512xf32>
    %sub3A_185 = arith.subf %broadcast_in_dim3A_164, %max3A_181 : vector<1x512xf32>
    %exp3A_186 = math.exp %sub3A_185 : vector<1x512xf32>
    %add3A_187 = arith.addf %mul3A_184, %exp3A_186 : vector<1x512xf32>
    %get3A_188 = arith.constant 512 : index
    %get3A_189 = arith.constant 0 : index
    %get3A_190 = vector.load %arg3[%get3A_188, %get3A_189] : memref<1024x512xf32, #tpu.memory_space<vmem>>, vector<128x512xf32>
    %add3A_191 = arith.addf %get3A_1, %get3A_190 : vector<128x512xf32>
    %reduce_max3A_192 = arith.constant dense<0xFF800000> : vector<512xf32>
    %reduce_max3A_193 = vector.multi_reduction <maximumf>, %add3A_191, %reduce_max3A_192 [0] : vector<128x512xf32> to vector<512xf32>
    %broadcast_in_dim3A_194 = vector.shape_cast %reduce_max3A_193 : vector<512xf32> to vector<1x512xf32>
    %eq3A_195 = vector.broadcast %broadcast_in_dim3A_194 : vector<1x512xf32> to vector<128x512xf32>
    %eq3A_196 = arith.cmpf oeq, %add3A_191, %eq3A_195 : vector<128x512xf32>
    %jit3A_197 = arith.constant 2147483647 : i32
    %broadcast_in_dim3A_198 = vector.broadcast %jit3A_197 : i32 to vector<128x512xi32>
    %select_n3A_199 = arith.select %eq3A_196, %iota3A, %broadcast_in_dim3A_198 : vector<128x512xi1>, vector<128x512xi32>
    %reduce_min3A_200 = arith.constant dense<2147483647> : vector<512xi32>
    %reduce_min3A_201 = vector.multi_reduction <minsi>, %select_n3A_199, %reduce_min3A_200 [0] : vector<128x512xi32> to vector<512xi32>
    %broadcast_in_dim3A_202 = vector.shape_cast %reduce_min3A_201 : vector<512xi32> to vector<1x512xi32>
    %eq3A_203 = vector.broadcast %broadcast_in_dim3A_202 : vector<1x512xi32> to vector<128x512xi32>
    %eq3A_204 = arith.cmpi eq, %iota3A, %eq3A_203 : vector<128x512xi32>
    %jit3A_205 = arith.constant 0xFF800000 : f32
    %broadcast_in_dim3A_206 = vector.broadcast %jit3A_205 : f32 to vector<128x512xf32>
    %select_n3A_207 = arith.select %eq3A_204, %sub3A, %broadcast_in_dim3A_206 : vector<128x512xi1>, vector<128x512xf32>
    %reduce_max3A_208 = arith.constant dense<0xFF800000> : vector<512xf32>
    %reduce_max3A_209 = vector.multi_reduction <maximumf>, %select_n3A_207, %reduce_max3A_208 [0] : vector<128x512xf32> to vector<512xf32>
    %broadcast_in_dim3A_210 = vector.shape_cast %reduce_max3A_209 : vector<512xf32> to vector<1x512xf32>
    %mul3A_211 = arith.constant 512 : i32
    %mul3A_212 = vector.broadcast %mul3A_211 : i32 to vector<1x512xi32>
    %mul3A_213 = arith.muli %broadcast_in_dim3A_202, %mul3A_212 : vector<1x512xi32>
    %add3A_214 = arith.addi %mul3A_213, %iota3A_5 : vector<1x512xi32>
    %swap3A_215 = arith.constant 4 : index
    %swap3A_216 = arith.constant 0 : index
    %swap3A_217 = arith.constant 0 : index
    %swap3A_218 = vector.load %arg4[%swap3A_215, %swap3A_216, %swap3A_217] : memref<8x1x512xi32, #tpu.memory_space<vmem>>, vector<1x1x512xi32>
    %swap3A_219 = vector.shape_cast %swap3A_218 : vector<1x1x512xi32> to vector<1x512xi32>
    %swap3A_220 = vector.shape_cast %add3A_214 : vector<1x512xi32> to vector<1x1x512xi32>
    tpu.vector_store %arg4[%swap3A_215, %swap3A_216, %swap3A_217], %swap3A_220 {strides = array<i32>} : memref<8x1x512xi32, #tpu.memory_space<vmem>>, vector<1x1x512xi32>,
    %swap3A_221 = arith.constant 4 : index
    %swap3A_222 = arith.constant 0 : index
    %swap3A_223 = arith.constant 0 : index
    %swap3A_224 = vector.load %arg5[%swap3A_221, %swap3A_222, %swap3A_223] : memref<8x1x512xf32, #tpu.memory_space<vmem>>, vector<1x1x512xf32>
    %swap3A_225 = vector.shape_cast %swap3A_224 : vector<1x1x512xf32> to vector<1x512xf32>
    %swap3A_226 = vector.shape_cast %broadcast_in_dim3A_210 : vector<1x512xf32> to vector<1x1x512xf32>
    tpu.vector_store %arg5[%swap3A_221, %swap3A_222, %swap3A_223], %swap3A_226 {strides = array<i32>} : memref<8x1x512xf32, #tpu.memory_space<vmem>>, vector<1x1x512xf32>,
    %max3A_227 = arith.maximumf %max3A_181, %broadcast_in_dim3A_210 : vector<1x512xf32>
    %sub3A_228 = arith.subf %max3A_181, %max3A_227 : vector<1x512xf32>
    %exp3A_229 = math.exp %sub3A_228 : vector<1x512xf32>
    %mul3A_230 = arith.mulf %add3A_187, %exp3A_229 : vector<1x512xf32>
    %sub3A_231 = arith.subf %broadcast_in_dim3A_210, %max3A_227 : vector<1x512xf32>
    %exp3A_232 = math.exp %sub3A_231 : vector<1x512xf32>
    %add3A_233 = arith.addf %mul3A_230, %exp3A_232 : vector<1x512xf32>
    %get3A_234 = arith.constant 640 : index
    %get3A_235 = arith.constant 0 : index
    %get3A_236 = vector.load %arg3[%get3A_234, %get3A_235] : memref<1024x512xf32, #tpu.memory_space<vmem>>, vector<128x512xf32>
    %add3A_237 = arith.addf %get3A_1, %get3A_236 : vector<128x512xf32>
    %reduce_max3A_238 = arith.constant dense<0xFF800000> : vector<512xf32>
    %reduce_max3A_239 = vector.multi_reduction <maximumf>, %add3A_237, %reduce_max3A_238 [0] : vector<128x512xf32> to vector<512xf32>
    %broadcast_in_dim3A_240 = vector.shape_cast %reduce_max3A_239 : vector<512xf32> to vector<1x512xf32>
    %eq3A_241 = vector.broadcast %broadcast_in_dim3A_240 : vector<1x512xf32> to vector<128x512xf32>
    %eq3A_242 = arith.cmpf oeq, %add3A_237, %eq3A_241 : vector<128x512xf32>
    %jit3A_243 = arith.constant 2147483647 : i32
    %broadcast_in_dim3A_244 = vector.broadcast %jit3A_243 : i32 to vector<128x512xi32>
    %select_n3A_245 = arith.select %eq3A_242, %iota3A, %broadcast_in_dim3A_244 : vector<128x512xi1>, vector<128x512xi32>
    %reduce_min3A_246 = arith.constant dense<2147483647> : vector<512xi32>
    %reduce_min3A_247 = vector.multi_reduction <minsi>, %select_n3A_245, %reduce_min3A_246 [0] : vector<128x512xi32> to vector<512xi32>
    %broadcast_in_dim3A_248 = vector.shape_cast %reduce_min3A_247 : vector<512xi32> to vector<1x512xi32>
    %eq3A_249 = vector.broadcast %broadcast_in_dim3A_248 : vector<1x512xi32> to vector<128x512xi32>
    %eq3A_250 = arith.cmpi eq, %iota3A, %eq3A_249 : vector<128x512xi32>
    %jit3A_251 = arith.constant 0xFF800000 : f32
    %broadcast_in_dim3A_252 = vector.broadcast %jit3A_251 : f32 to vector<128x512xf32>
    %select_n3A_253 = arith.select %eq3A_250, %sub3A, %broadcast_in_dim3A_252 : vector<128x512xi1>, vector<128x512xf32>
    %reduce_max3A_254 = arith.constant dense<0xFF800000> : vector<512xf32>
    %reduce_max3A_255 = vector.multi_reduction <maximumf>, %select_n3A_253, %reduce_max3A_254 [0] : vector<128x512xf32> to vector<512xf32>
    %broadcast_in_dim3A_256 = vector.shape_cast %reduce_max3A_255 : vector<512xf32> to vector<1x512xf32>
    %mul3A_257 = arith.constant 512 : i32
    %mul3A_258 = vector.broadcast %mul3A_257 : i32 to vector<1x512xi32>
    %mul3A_259 = arith.muli %broadcast_in_dim3A_248, %mul3A_258 : vector<1x512xi32>
    %add3A_260 = arith.addi %mul3A_259, %iota3A_5 : vector<1x512xi32>
    %swap3A_261 = arith.constant 5 : index
    %swap3A_262 = arith.constant 0 : index
    %swap3A_263 = arith.constant 0 : index
    %swap3A_264 = vector.load %arg4[%swap3A_261, %swap3A_262, %swap3A_263] : memref<8x1x512xi32, #tpu.memory_space<vmem>>, vector<1x1x512xi32>
    %swap3A_265 = vector.shape_cast %swap3A_264 : vector<1x1x512xi32> to vector<1x512xi32>
    %swap3A_266 = vector.shape_cast %add3A_260 : vector<1x512xi32> to vector<1x1x512xi32>
    tpu.vector_store %arg4[%swap3A_261, %swap3A_262, %swap3A_263], %swap3A_266 {strides = array<i32>} : memref<8x1x512xi32, #tpu.memory_space<vmem>>, vector<1x1x512xi32>,
    %swap3A_267 = arith.constant 5 : index
    %swap3A_268 = arith.constant 0 : index
    %swap3A_269 = arith.constant 0 : index
    %swap3A_270 = vector.load %arg5[%swap3A_267, %swap3A_268, %swap3A_269] : memref<8x1x512xf32, #tpu.memory_space<vmem>>, vector<1x1x512xf32>
    %swap3A_271 = vector.shape_cast %swap3A_270 : vector<1x1x512xf32> to vector<1x512xf32>
    %swap3A_272 = vector.shape_cast %broadcast_in_dim3A_256 : vector<1x512xf32> to vector<1x1x512xf32>
    tpu.vector_store %arg5[%swap3A_267, %swap3A_268, %swap3A_269], %swap3A_272 {strides = array<i32>} : memref<8x1x512xf32, #tpu.memory_space<vmem>>, vector<1x1x512xf32>,
    %max3A_273 = arith.maximumf %max3A_227, %broadcast_in_dim3A_256 : vector<1x512xf32>
    %sub3A_274 = arith.subf %max3A_227, %max3A_273 : vector<1x512xf32>
    %exp3A_275 = math.exp %sub3A_274 : vector<1x512xf32>
    %mul3A_276 = arith.mulf %add3A_233, %exp3A_275 : vector<1x512xf32>
    %sub3A_277 = arith.subf %broadcast_in_dim3A_256, %max3A_273 : vector<1x512xf32>
    %exp3A_278 = math.exp %sub3A_277 : vector<1x512xf32>
    %add3A_279 = arith.addf %mul3A_276, %exp3A_278 : vector<1x512xf32>
    %get3A_280 = arith.constant 768 : index
    %get3A_281 = arith.constant 0 : index
    %get3A_282 = vector.load %arg3[%get3A_280, %get3A_281] : memref<1024x512xf32, #tpu.memory_space<vmem>>, vector<128x512xf32>
    %add3A_283 = arith.addf %get3A_1, %get3A_282 : vector<128x512xf32>
    %reduce_max3A_284 = arith.constant dense<0xFF800000> : vector<512xf32>
    %reduce_max3A_285 = vector.multi_reduction <maximumf>, %add3A_283, %reduce_max3A_284 [0] : vector<128x512xf32> to vector<512xf32>
    %broadcast_in_dim3A_286 = vector.shape_cast %reduce_max3A_285 : vector<512xf32> to vector<1x512xf32>
    %eq3A_287 = vector.broadcast %broadcast_in_dim3A_286 : vector<1x512xf32> to vector<128x512xf32>
    %eq3A_288 = arith.cmpf oeq, %add3A_283, %eq3A_287 : vector<128x512xf32>
    %jit3A_289 = arith.constant 2147483647 : i32
    %broadcast_in_dim3A_290 = vector.broadcast %jit3A_289 : i32 to vector<128x512xi32>
    %select_n3A_291 = arith.select %eq3A_288, %iota3A, %broadcast_in_dim3A_290 : vector<128x512xi1>, vector<128x512xi32>
    %reduce_min3A_292 = arith.constant dense<2147483647> : vector<512xi32>
    %reduce_min3A_293 = vector.multi_reduction <minsi>, %select_n3A_291, %reduce_min3A_292 [0] : vector<128x512xi32> to vector<512xi32>
    %broadcast_in_dim3A_294 = vector.shape_cast %reduce_min3A_293 : vector<512xi32> to vector<1x512xi32>
    %eq3A_295 = vector.broadcast %broadcast_in_dim3A_294 : vector<1x512xi32> to vector<128x512xi32>
    %eq3A_296 = arith.cmpi eq, %iota3A, %eq3A_295 : vector<128x512xi32>
    %jit3A_297 = arith.constant 0xFF800000 : f32
    %broadcast_in_dim3A_298 = vector.broadcast %jit3A_297 : f32 to vector<128x512xf32>
    %select_n3A_299 = arith.select %eq3A_296, %sub3A, %broadcast_in_dim3A_298 : vector<128x512xi1>, vector<128x512xf32>
    %reduce_max3A_300 = arith.constant dense<0xFF800000> : vector<512xf32>
    %reduce_max3A_301 = vector.multi_reduction <maximumf>, %select_n3A_299, %reduce_max3A_300 [0] : vector<128x512xf32> to vector<512xf32>
    %broadcast_in_dim3A_302 = vector.shape_cast %reduce_max3A_301 : vector<512xf32> to vector<1x512xf32>
    %mul3A_303 = arith.constant 512 : i32
    %mul3A_304 = vector.broadcast %mul3A_303 : i32 to vector<1x512xi32>
    %mul3A_305 = arith.muli %broadcast_in_dim3A_294, %mul3A_304 : vector<1x512xi32>
    %add3A_306 = arith.addi %mul3A_305, %iota3A_5 : vector<1x512xi32>
    %swap3A_307 = arith.constant 6 : index
    %swap3A_308 = arith.constant 0 : index
    %swap3A_309 = arith.constant 0 : index
    %swap3A_310 = vector.load %arg4[%swap3A_307, %swap3A_308, %swap3A_309] : memref<8x1x512xi32, #tpu.memory_space<vmem>>, vector<1x1x512xi32>
    %swap3A_311 = vector.shape_cast %swap3A_310 : vector<1x1x512xi32> to vector<1x512xi32>
    %swap3A_312 = vector.shape_cast %add3A_306 : vector<1x512xi32> to vector<1x1x512xi32>
    tpu.vector_store %arg4[%swap3A_307, %swap3A_308, %swap3A_309], %swap3A_312 {strides = array<i32>} : memref<8x1x512xi32, #tpu.memory_space<vmem>>, vector<1x1x512xi32>,
    %swap3A_313 = arith.constant 6 : index
    %swap3A_314 = arith.constant 0 : index
    %swap3A_315 = arith.constant 0 : index
    %swap3A_316 = vector.load %arg5[%swap3A_313, %swap3A_314, %swap3A_315] : memref<8x1x512xf32, #tpu.memory_space<vmem>>, vector<1x1x512xf32>
    %swap3A_317 = vector.shape_cast %swap3A_316 : vector<1x1x512xf32> to vector<1x512xf32>
    %swap3A_318 = vector.shape_cast %broadcast_in_dim3A_302 : vector<1x512xf32> to vector<1x1x512xf32>
    tpu.vector_store %arg5[%swap3A_313, %swap3A_314, %swap3A_315], %swap3A_318 {strides = array<i32>} : memref<8x1x512xf32, #tpu.memory_space<vmem>>, vector<1x1x512xf32>,
    %max3A_319 = arith.maximumf %max3A_273, %broadcast_in_dim3A_302 : vector<1x512xf32>
    %sub3A_320 = arith.subf %max3A_273, %max3A_319 : vector<1x512xf32>
    %exp3A_321 = math.exp %sub3A_320 : vector<1x512xf32>
    %mul3A_322 = arith.mulf %add3A_279, %exp3A_321 : vector<1x512xf32>
    %sub3A_323 = arith.subf %broadcast_in_dim3A_302, %max3A_319 : vector<1x512xf32>
    %exp3A_324 = math.exp %sub3A_323 : vector<1x512xf32>
    %add3A_325 = arith.addf %mul3A_322, %exp3A_324 : vector<1x512xf32>
    %get3A_326 = arith.constant 896 : index
    %get3A_327 = arith.constant 0 : index
    %get3A_328 = vector.load %arg3[%get3A_326, %get3A_327] : memref<1024x512xf32, #tpu.memory_space<vmem>>, vector<128x512xf32>
    %add3A_329 = arith.addf %get3A_1, %get3A_328 : vector<128x512xf32>
    %reduce_max3A_330 = arith.constant dense<0xFF800000> : vector<512xf32>
    %reduce_max3A_331 = vector.multi_reduction <maximumf>, %add3A_329, %reduce_max3A_330 [0] : vector<128x512xf32> to vector<512xf32>
    %broadcast_in_dim3A_332 = vector.shape_cast %reduce_max3A_331 : vector<512xf32> to vector<1x512xf32>
    %eq3A_333 = vector.broadcast %broadcast_in_dim3A_332 : vector<1x512xf32> to vector<128x512xf32>
    %eq3A_334 = arith.cmpf oeq, %add3A_329, %eq3A_333 : vector<128x512xf32>
    %jit3A_335 = arith.constant 2147483647 : i32
    %broadcast_in_dim3A_336 = vector.broadcast %jit3A_335 : i32 to vector<128x512xi32>
    %select_n3A_337 = arith.select %eq3A_334, %iota3A, %broadcast_in_dim3A_336 : vector<128x512xi1>, vector<128x512xi32>
    %reduce_min3A_338 = arith.constant dense<2147483647> : vector<512xi32>
    %reduce_min3A_339 = vector.multi_reduction <minsi>, %select_n3A_337, %reduce_min3A_338 [0] : vector<128x512xi32> to vector<512xi32>
    %broadcast_in_dim3A_340 = vector.shape_cast %reduce_min3A_339 : vector<512xi32> to vector<1x512xi32>
    %eq3A_341 = vector.broadcast %broadcast_in_dim3A_340 : vector<1x512xi32> to vector<128x512xi32>
    %eq3A_342 = arith.cmpi eq, %iota3A, %eq3A_341 : vector<128x512xi32>
    %jit3A_343 = arith.constant 0xFF800000 : f32
    %broadcast_in_dim3A_344 = vector.broadcast %jit3A_343 : f32 to vector<128x512xf32>
    %select_n3A_345 = arith.select %eq3A_342, %sub3A, %broadcast_in_dim3A_344 : vector<128x512xi1>, vector<128x512xf32>
    %reduce_max3A_346 = arith.constant dense<0xFF800000> : vector<512xf32>
    %reduce_max3A_347 = vector.multi_reduction <maximumf>, %select_n3A_345, %reduce_max3A_346 [0] : vector<128x512xf32> to vector<512xf32>
    %broadcast_in_dim3A_348 = vector.shape_cast %reduce_max3A_347 : vector<512xf32> to vector<1x512xf32>
    %mul3A_349 = arith.constant 512 : i32
    %mul3A_350 = vector.broadcast %mul3A_349 : i32 to vector<1x512xi32>
    %mul3A_351 = arith.muli %broadcast_in_dim3A_340, %mul3A_350 : vector<1x512xi32>
    %add3A_352 = arith.addi %mul3A_351, %iota3A_5 : vector<1x512xi32>
    %swap3A_353 = arith.constant 7 : index
    %swap3A_354 = arith.constant 0 : index
    %swap3A_355 = arith.constant 0 : index
    %swap3A_356 = vector.load %arg4[%swap3A_353, %swap3A_354, %swap3A_355] : memref<8x1x512xi32, #tpu.memory_space<vmem>>, vector<1x1x512xi32>
    %swap3A_357 = vector.shape_cast %swap3A_356 : vector<1x1x512xi32> to vector<1x512xi32>
    %swap3A_358 = vector.shape_cast %add3A_352 : vector<1x512xi32> to vector<1x1x512xi32>
    tpu.vector_store %arg4[%swap3A_353, %swap3A_354, %swap3A_355], %swap3A_358 {strides = array<i32>} : memref<8x1x512xi32, #tpu.memory_space<vmem>>, vector<1x1x512xi32>,
    %swap3A_359 = arith.constant 7 : index
    %swap3A_360 = arith.constant 0 : index
    %swap3A_361 = arith.constant 0 : index
    %swap3A_362 = vector.load %arg5[%swap3A_359, %swap3A_360, %swap3A_361] : memref<8x1x512xf32, #tpu.memory_space<vmem>>, vector<1x1x512xf32>
    %swap3A_363 = vector.shape_cast %swap3A_362 : vector<1x1x512xf32> to vector<1x512xf32>
    %swap3A_364 = vector.shape_cast %broadcast_in_dim3A_348 : vector<1x512xf32> to vector<1x1x512xf32>
    tpu.vector_store %arg5[%swap3A_359, %swap3A_360, %swap3A_361], %swap3A_364 {strides = array<i32>} : memref<8x1x512xf32, #tpu.memory_space<vmem>>, vector<1x1x512xf32>,
    %max3A_365 = arith.maximumf %max3A_319, %broadcast_in_dim3A_348 : vector<1x512xf32>
    %sub3A_366 = arith.subf %max3A_319, %max3A_365 : vector<1x512xf32>
    %exp3A_367 = math.exp %sub3A_366 : vector<1x512xf32>
    %mul3A_368 = arith.mulf %add3A_325, %exp3A_367 : vector<1x512xf32>
    %sub3A_369 = arith.subf %broadcast_in_dim3A_348, %max3A_365 : vector<1x512xf32>
    %exp3A_370 = math.exp %sub3A_369 : vector<1x512xf32>
    %add3A_371 = arith.addf %mul3A_368, %exp3A_370 : vector<1x512xf32>
    %swap3A_372 = arith.constant 0 : index
    %swap3A_373 = arith.constant 0 : index
    %swap3A_374 = vector.load %arg7[%swap3A_372, %swap3A_373] : memref<1x512xf32, #tpu.memory_space<vmem>>, vector<1x512xf32>
    tpu.vector_store %arg7[%swap3A_372, %swap3A_373], %max3A_365 {strides = array<i32>} : memref<1x512xf32, #tpu.memory_space<vmem>>, vector<1x512xf32>,
    %swap3A_375 = arith.constant 0 : index
    %swap3A_376 = arith.constant 0 : index
    %swap3A_377 = vector.load %arg8[%swap3A_375, %swap3A_376] : memref<1x512xf32, #tpu.memory_space<vmem>>, vector<1x512xf32>
    tpu.vector_store %arg8[%swap3A_375, %swap3A_376], %add3A_371 {strides = array<i32>} : memref<1x512xf32, #tpu.memory_space<vmem>>, vector<1x512xf32>,
    %eq3A_378 = arith.constant 15 : i32
    %eq3A_379 = arith.cmpi eq, %arg0, %eq3A_378 : i32
    %convert_element_type3A_380 = arith.extui %eq3A_379 : i1 to i32
    %cond3A_381 = arith.constant 0 : i32
    %cond3A_382 = arith.cmpi ne, %convert_element_type3A_380, %cond3A_381 : i32
    scf.if %cond3A_382 {
      %log3A = math.log %add3A_371 : vector<1x512xf32>
      %add3A_383 = arith.addf %max3A_365, %log3A : vector<1x512xf32>
      %swap3A_384 = arith.constant 0 : index
      %swap3A_385 = arith.constant 0 : index
      %swap3A_386 = vector.load %arg6[%swap3A_384, %swap3A_385] : memref<1x512xf32, #tpu.memory_space<vmem>>, vector<1x512xf32>
      tpu.vector_store %arg6[%swap3A_384, %swap3A_385], %add3A_383 {strides = array<i32>} : memref<1x512xf32, #tpu.memory_space<vmem>>, vector<1x512xf32>,
    } else {
    }
    return
  }
  func.func @transform_0(%arg0: i32) -> (i32, i32) {
    %c0_i32 = arith.constant 0 : i32
    %c0_i32_0 = arith.constant 0 : i32
    %c0_i32_1 = arith.constant 0 : i32
    return %c0_i32, %c0_i32_0 : i32, i32
  }
  func.func @transform_1(%arg0: i32) -> (i32, i32) {
    %c0_i32 = arith.constant 0 : i32
    %c0_i32_0 = arith.constant 0 : i32
    %c0_i32_1 = arith.constant 0 : i32
    return %c0_i32, %c0_i32_0 : i32, i32
  }
  func.func @transform_2(%arg0: i32) -> (i32, i32) {
    %c0_i32 = arith.constant 0 : i32
    %c0_i32_0 = arith.constant 0 : i32
    return %arg0, %c0_i32 : i32, i32
  }
  func.func @transform_3(%arg0: i32) -> (i32, i32, i32) {
    %c0_i32 = arith.constant 0 : i32
    %c0_i32_0 = arith.constant 0 : i32
    %c0_i32_1 = arith.constant 0 : i32
    return %arg0, %c0_i32, %c0_i32_0 : i32, i32, i32
  }
  func.func @transform_4(%arg0: i32) -> (i32, i32, i32) {
    %c0_i32 = arith.constant 0 : i32
    %c0_i32_0 = arith.constant 0 : i32
    %c0_i32_1 = arith.constant 0 : i32
    return %arg0, %c0_i32, %c0_i32_0 : i32, i32, i32
  }
  func.func @transform_5(%arg0: i32) -> (i32, i32) {
    %c0_i32 = arith.constant 0 : i32
    %c0_i32_0 = arith.constant 0 : i32
    %c0_i32_1 = arith.constant 0 : i32
    return %c0_i32, %c0_i32_0 : i32, i32
  }
}

</mosaic_0001>

<sc_bundles>
// kernel: kernel.4.cloned.1.call-start
scs
__scs_entry_jumppad:
0x0: {  	(pc) =	sbr.rel $0x88, $3  }
0x1: {  	(tag) =	ssettag $0x0;
	lr =	simm.s32 $0x1  }
0x2: {  	[smem:$0x3F9F] =	sst lr;
	_ =	strace $0xD0000000  }
0x3: {  	_ = 	snop  }
0x4: {  	_ = 	snop  }
0x5: {  	_ = 	snop  }
0x6: {  	_ = 	snop  }
0x7: {  	_ = 	snop  }
__scs_overlays_trampoline_lowered:
0x8: {  	[smem:$0x3FAE] =	sst s0  }
0x9: {  	[smem:$0x3FAF] =	sst s1  }
0xa: {  	[smem:$0x3FB0] =	sst s2  }
0xb: {  	[smem:$0x3FB1] =	sst s3  }
0xc: {  	[smem:$0x3FB2] =	sst s4  }
0xd: {  	[smem:$0x3FB3] =	sst s5  }
0xe: {  	[smem:$0x3FB4] =	sst s6  }
0xf: {  	[smem:$0x3FB5] =	sst s7  }
0x10: {  	[smem:$0x3FB6] =	sst s8  }
0x11: {  	[smem:$0x3FB7] =	sst s9;
	s0 =	simm.s32 @!p0 $0x0  }
0x12: {  	s1 =	sld [smem:$0x3F9D];
	s0 =	simm.s32 @p0 $0x1  }
0x13: {  	[smem:$0x3FB8] =	sst s0;
	s0 =	simm.s32 @!p1 $0x0  }
0x14: {  	s2 =	sld [smem:$0x3F9C];
	s0 =	simm.s32 @p1 $0x1  }
0x15: {  	[smem:$0x3FB9] =	sst s0;
	s0 =	simm.s32 @!p2 $0x0  }
0x16: {  	s3 =	sld [smem:$0x3FDB];
	s0 =	simm.s32 @p2 $0x1  }
0x17: {  	s4 =	simm.s32 $0x1BF5;
	[smem:$0x3FBB] =	sst s0  }
0x18: {  	s0 =	sld [smem:$0x3F9E];
	_ =	swait.ge [sflag:s4], $0x0  }
0x19: {  	s7 =	sld [smem:$0x3F9F]  }
0x1a: {  	s8 =	sadd.s32 $0xFFFFE003, lr  }
0x1b: {  	s9 =	sadd.s32 $0xFFFFFEF7, lr;
	s5 =	simm.s32 $0xFFFFFFFF;
	p2 =	slt.u32 s8, $0xFFFFF086  }
0x1c: {  	p1 =	slt.u32 s9, $0xF7A;
	s5 =	simm.s32 @!p2 $0x0  }
0x1d: {  	s5 =	simm.s32 @p1 $0x1;
	p0 =	seq.s32 s7, s2  }
0x1e: {  	s7 =	smul.u32 @!p0 $0xF7A, s2;
	p2 =	seq.s32 @!p0 s5, $0x0  }
0x1f: {  	s9 =	smul.u32 $0xF7A, s1;
	s8 =	simm.s32 @!p0 $0x1BF5;
	p2 =	por !p2, p0  }
0x20: {  	[sflag:s8] =	ssyncset.s32 @!p0 $0xFFFFF086;
	s6 =	sadd.s32 @!p0 s3, s7;
	s7 =	simm.s32 @!p0 $0x108  }
0x21: {  	s3 =	sadd.s32 s3, s9;
	s6 =	sadd.s32 @!p0 $0x88, s6;
	s7 =	simm.s32 @p2 $0x1082  }
0x22: {  	[simem:s7], [sflag:s8] =	dma.local @!p0 [hbm:s6], $0xF7A  }
0x23: {  	s9 =	sor.u32 $0xD0000000, s2;
	s6 =	simm.s32 $0x108;
	_ =	swait.ge @!p0 [sflag:s8], $0x0  }
0x24: {  	s3 =	sadd.s32 $0x88, s3;
	s6 =	simm.s32 @!p1 $0x1082;
	[sflag:s4] =	ssyncset.s32 $0xFFFFF086  }
0x25: {  	[simem:s6], [sflag:s4] =	dma.local [hbm:s3], $0xF7A  }
0x26: {  	[smem:$0x3F9F] =	sst s1;
	(tag) =	ssettag s2;
	_ =	strace s9  }
0x27: {  	s1 =	sld [smem:$0x3FAF]  }
0x28: {  	s2 =	sld [smem:$0x3FB0]  }
0x29: {  	s4 =	sld [smem:$0x3FB2]  }
0x2a: {  	p0 =	seq.s32 s5, $0x0;
	s5 =	sld [smem:$0x3FB3]  }
0x2b: {  	s6 =	sld [smem:$0x3FB4]  }
0x2c: {  	s7 =	sld [smem:$0x3FB5]  }
0x2d: {  	s3 =	simm.s32 $0x108;
	s8 =	sld [smem:$0x3FB6]  }
0x2e: {  	s3 =	simm.s32 @!p0 $0x1082;
	s9 =	sld [smem:$0x3FB7]  }
0x2f: {  	lr =	sadd.s32 s0, s3;
	s0 =	sld [smem:$0x3FAE]  }
0x30: {  	s3 =	sld [smem:$0x3FB1]  }
0x31: {  	[smem:$0x3FBA] =	sst s10  }
0x32: {  	s10 =	sld [smem:$0x3FB8];
	_ =	sdelay $0x3  }
0x33: {  	p0 =	seq.s32 s10, $0x1;
	s10 =	sld [smem:$0x3FBA];
	_ =	sdelay $0x3  }
0x34: {  	[smem:$0x3FBA] =	sst s10  }
0x35: {  	s10 =	sld [smem:$0x3FB9];
	_ =	sdelay $0x3  }
0x36: {  	p1 =	seq.s32 s10, $0x1;
	s10 =	sld [smem:$0x3FBA];
	_ =	sdelay $0x3  }
0x37: {  	[smem:$0x3FBA] =	sst s10  }
0x38: {  	s10 =	sld [smem:$0x3FBB]  }
0x39: {  	_ = 	snop;
	(pc) =	sbr.ind lr, $3  }
0x3a: {  	_ = 	snop  }
0x3b: {  	_ = 	snop  }
0x3c: {  	p2 =	seq.s32 s10, $0x1;
	s10 =	sld [smem:$0x3FBA]  }
0x3d: {  	_ =	shalt  }
0x3e: {  	_ =	shalt  }
0x3f: {  	_ =	shalt  }
0x40: {  	_ =	shalt  }
0x41: {  	_ =	shalt  }
0x42: {  	_ =	shalt  }
0x43: {  	_ =	shalt  }
0x44: {  	_ =	shalt  }
0x45: {  	_ =	shalt  }
0x46: {  	_ =	shalt  }
0x47: {  	_ =	shalt  }
0x48: {  	_ =	shalt  }
0x49: {  	_ =	shalt  }
0x4a: {  	_ =	shalt  }
0x4b: {  	_ =	shalt  }
0x4c: {  	_ =	shalt  }
0x4d: {  	_ =	shalt  }
0x4e: {  	_ =	shalt  }
0x4f: {  	_ =	shalt  }
0x50: {  	_ =	shalt  }
0x51: {  	_ =	shalt  }
0x52: {  	_ =	shalt  }
0x53: {  	_ =	shalt  }
0x54: {  	_ =	shalt  }
0x55: {  	_ =	shalt  }
0x56: {  	_ =	shalt  }
0x57: {  	_ =	shalt  }
0x58: {  	_ =	shalt  }
0x59: {  	_ =	shalt  }
0x5a: {  	_ =	shalt  }
0x5b: {  	_ =	shalt  }
0x5c: {  	_ =	shalt  }
0x5d: {  	_ =	shalt  }
0x5e: {  	_ =	shalt  }
0x5f: {  	_ =	shalt  }
0x60: {  	_ =	shalt  }
0x61: {  	_ =	shalt  }
0x62: {  	_ =	shalt  }
0x63: {  	_ =	shalt  }
0x64: {  	_ =	shalt  }
0x65: {  	_ =	shalt  }
0x66: {  	_ =	shalt  }
0x67: {  	_ =	shalt  }
0x68: {  	_ =	shalt  }
0x69: {  	_ =	shalt  }
0x6a: {  	_ =	shalt  }
0x6b: {  	_ =	shalt  }
0x6c: {  	_ =	shalt  }
0x6d: {  	_ =	shalt  }
0x6e: {  	_ =	shalt  }
0x6f: {  	_ =	shalt  }
0x70: {  	_ =	shalt  }
0x71: {  	_ =	shalt  }
0x72: {  	_ =	shalt  }
0x73: {  	_ =	shalt  }
0x74: {  	_ =	shalt  }
0x75: {  	_ =	shalt  }
0x76: {  	_ =	shalt  }
0x77: {  	_ =	shalt  }
0x78: {  	_ =	shalt  }
0x79: {  	_ =	shalt  }
0x7a: {  	_ =	shalt  }
0x7b: {  	_ =	shalt  }
0x7c: {  	_ =	shalt  }
0x7d: {  	_ =	shalt  }
0x7e: {  	_ =	shalt  }
0x7f: {  	_ =	shalt  }
0x80: {  	_ =	shalt  }
0x81: {  	_ =	shalt  }
0x82: {  	_ =	shalt  }
0x83: {  	_ =	shalt  }
0x84: {  	_ =	shalt  }
0x85: {  	_ =	shalt  }
0x86: {  	_ =	shalt  }
0x87: {  	_ =	shalt  }
.Lfunc_end0:
.L_simem_size_0:
called_computation_lowered:
.L_overlay_start_0:
0x88: {  	s2 =	sld [smem:$0x3FD9]  }
0x89: {  	s3 =	sld [smem:$0x3FFE];
	_ =	sdelay $0x1  }
0x8a: {  	s1 =	srdreg.scid  }
0x8b: {  	s0 =	sand.u32 $0x1, s1  }
0x8c: {  	s14 =	sshll.u32 s0, $0xA;
	s2 =	sadd.s32 s3, s2  }
0x8d: {  	s2 =	sadd.s32 s2, s14  }
0x8e: {  	[smem:$0x3FC6] =	sst s2  }
0x8f: {  	_ = 	snop  }
0x90: {  	s2 =	sld [smem:$0x3FD0];
	_ =	sdelay $0x2  }
0x91: {  	s4 =	simm.s32 $0xA;
	s5 =	simm.s32 $0x10;
	s15 =	sld [smem:$0x3FC9]  }
0x92: {  	[smem:s5], [sflag:s4] =	dma.local [hbm:s2], $0x1  }
0x93: {  	_ =	swait.eq [sflag:s4], $0x1  }
0x94: {  	[sflag:s4] =	ssyncset.done $0x0  }
0x95: {  	[sflag:s4] =	ssyncadd.s32 $0xFFFFFFFF  }
0x96: {  	s16 =	sld [smem:$0x10];
	(tm) =	ssettm $0x1  }
0x97: {  	s17 =	sld [smem:$0x3FFB];
	_ =	sdelay $0x3  }
0x98: {  	_ =	strace s17  }
0x99: {  	s4 =	sld [smem:$0x3FFC];
	_ =	sdelay $0x3  }
0x9a: {  	_ =	strace s4  }
0x9b: {  	s4 =	sld [smem:$0x3FFD];
	_ =	sdelay $0x3  }
0x9c: {  	_ =	strace s4  }
0x9d: {  	_ =	strace $0x8FFFFFFF  }
0x9e: {  	s18 =	sld [smem:$0x3FDB];
	_ =	sdelay $0x1  }
0x9f: {  	s19 =	simm.s32 $_scs_section_size  }
0xa0: {  	s6 =	simm.s32 $_size__tile_overlayer_lowered;
	s7 =	simm.s32 $_tile_overlayer_lowered  }
0xa1: {  	s22 =	simm.s32 $0x1BFF;
	s21 =	sshll.u32 s7, $0x1;
	s4 =	sadd.s32 s19, s18  }
0xa2: {  	s8 =	simm.s32 $0x0;
	s20 =	sshll.u32 s6, $0x1;
	s6 =	sadd.s32 s21, s4  }
0xa3: {  	[timem:s8], [sflag:s22] =	dma.local [hbm:s6], s20  }
0xa4: {  	_ =	swait.ge [sflag:s22], s20  }
0xa5: {  	s5 =	ssub.s32 $0x0, s20;
	[sflag:s22] =	ssyncset.done $0x0  }
0xa6: {  	[sflag:s22] =	ssyncadd.s32 s5;
	_ =	sdelay $0x1  }
0xa7: {  	s23 =	simm.s32 $0x1B8B  }
0xa8: {  	_ =	swait.ge [sflag:s23], $0x1  }
0xa9: {  	[sflag:s23] =	ssyncset.done $0x0  }
0xaa: {  	s25 =	simm.s32 $0x1B8E;
	s24 =	sld [smem:$0x3FFE];
	[sflag:s23] =	ssyncadd.s32 $0xFFFFFFFF  }
0xab: {  	s26 =	simm.s32 $execute0_lowered;
	[smem:$0x3FD2] =	sst s25  }
0xac: {  	s6 =	sshll.u32 s26, $0x1;
	_ =	strace $0x80000046;
	[dreg:$0x1] =	wrdreg $0xFFFFFFFF  }
0xad: {  	s28 =	simm.s32 $_size_execute0_lowered;
	s4 =	sadd.s32 s4, s6;
	[dreg:$0x0] =	wrdreg $0x0  }
0xae: {  	s6 =	sshll.u32 s28, $0x1;
	[dreg:$0x2] =	wrdreg s4  }
0xaf: {  	[dreg:$0x3] =	wrdreg s6  }
0xb0: {  	[dreg:$0x4] =	wrdreg $0xC0  }
0xb1: {  	_ =	task [dreg:s8], $0x5FFFF  }
0xb2: {  	[dreg:$0x1] =	wrdreg $0xFFFFFFFF  }
0xb3: {  	[dreg:$0x0] =	wrdreg $0x60  }
0xb4: {  	[dreg:$0x2] =	wrdreg s15  }
0xb5: {  	[dreg:$0x3] =	wrdreg s24  }
0xb6: {  	[dreg:$0x4] =	wrdreg s16  }
0xb7: {  	[dreg:$0x5] =	wrdreg $0x9  }
0xb8: {  	_ =	task.clear_ibuf [dreg:s8], $0x6FFFF;
	_ =	strace $0x90000046  }
0xb9: {  	s29 =	simm.s32 $0x9;
	_ =	strace $0x80000048  }
0xba: {  	_ =	swait.ge [sflag:s29], $0x1  }
0xbb: {  	[sflag:s29] =	ssyncadd.s32 $0xFFFFFFFF  }
0xbc: {  	_ =	strace $0x90000048  }
0xbd: {  	_ =	sfence  }
0xbe: {  	s30 =	sld [smem:$0x0];
	_ =	sdelay $0x2  }
0xbf: {  	s31 =	sshll.u32 s1, $0xD;
	s1 =	sshrl.u32 s1, $0x2  }
0xc0: {  	s3 =	sand.u32 $0x4000, s31;
	s1 =	sadd.s32 s1, s30  }
0xc1: {  	s0 =	sor.u32 s3, s0;
	s1 =	sshll.u32 s1, $0x11  }
0xc2: {  	s0 =	sor.u32 s1, s0  }
0xc3: {  	s0 =	sadd.s32 $0x8F2B, s0  }
0xc4: {  	[sflag:s0] =	ssyncadd.remote.s32 $0x1  }
0xc5: {  	_ =	sfence.sel $0xFFFF  }
0xc6: {  	[dreg:$0x0] =	wrdreg $0xFFFFFFFF;
	(pc) =	sbr.abs _section_cstart, $3  }
0xc7: {  	[dreg:$0x1] =	wrdreg $0xFFFFFFFF  }
0xc8: {  	_ =	task.clear_ibuf [dreg:s8], $0x2FFFF;
	_ =	strace $0x9FFFFFFF  }
0xc9: {  	(tm) =	ssettm $0x7FFFFFFF  }
tec
execute0_lowered:
.L_overlay_start_1:
0x0: {  	(tag) =	ssettag $0x1  }
0x1: {  	s2 =	srdreg.scid  }
0x2: {  	s0 =	stileid.u32;
	s31 =	sand.u32 $0x1, s2  }
0x3: {  	s1 =	rddreg [dreg:$0x0];
	s26 =	sshll.u32 s0, $0xC;
	s3 =	sshll.u32 s31, $0xB  }
0x4: {  	s4 =	rddreg [dreg:$0x1];
	s11 =	sor.u32 s3, s26  }
0x5: {  	s10 =	rddreg [dreg:$0x2];
	s3 =	simm.s32 $0x0;
	s5 =	sshrl.u32 s11, $0x3  }
0x6: {  	[smem:$0x7FF] =	sst s3;
	s4 =	sadd.s32 s5, s4  }
0x7: {  	_ =	strace $0x80000047;
	s5 =	simm.s32 $0x7;
	s4 =	sadd.s32 $0x800, s4  }
0x8: {  	[tilespmem:s3], [sflag:$0x7] =	stream.linear.gather [hbm4b:s4+s3], $0x800, $0x38;
	[tilespmem:$0x18800] =	vst v63  }
0x9: {  	_ =	swait.ge [sflag:s5], $0x800  }
0xa: {  	[sflag:s5] =	ssyncset.done $0x0  }
0xb: {  	s6 =	simm.s32 $0x100;
	s7 =	simm.s32 $0x800;
	[sflag:s5] =	ssyncadd.s32 $0xFFFFF800  }
0xc: {  	[tilespmem:s7], [sflag:$0x1] =	stream.indirect.gather [hbm4b:s1+s6], $0x80, s3, s6, $0xb8;
	[tilespmem:$0x18800] =	vst v63  }
0xd: {  	s8 =	simm.s32 $0x8800;
	s9 =	simm.s32 $0x1  }
0xe: {  	[tilespmem:s8], [sflag:$0x2] =	stream.indirect.gather [hbm4b:s1+s6], $0x80, s6, s6, $0xb8;
	[tilespmem:$0x18800] =	vst v63  }
0xf: {  	_ =	swait.ge [sflag:s9], $0x8000  }
0x10: {  	s11 =	sshll.u32 s11, $0x4;
	[sflag:s9] =	ssyncset.done $0x0  }
0x11: {  	s10 =	sadd.s32 s10, s11;
	[sflag:s9] =	ssyncadd.s32 $0xFFFF8000  }
0x12: {  	[hbm4b:s10+s3] =	stream.linear.scatter [tilespmem:s7], [sflag:$0x4], $0x8000, $0x38;
	[tilespmem:$0x18800] =	vst v63  }
0x13: {  	s12 =	simm.s32 $0x10800;
	s13 =	simm.s32 $0x2;
	s11 =	simm.s32 $0x200  }
0x14: {  	[tilespmem:s12], [sflag:$0x3] =	stream.indirect.gather [hbm4b:s1+s6], $0x80, s11, s6, $0xb8;
	[tilespmem:$0x18800] =	vst v63  }
0x15: {  	_ =	swait.ge [sflag:s13], $0x8000  }
0x16: {  	[sflag:s13] =	ssyncset.done $0x0  }
0x17: {  	s15 =	simm.s32 $0x4;
	s14 =	sadd.s32 $0x1000, s10;
	[sflag:s13] =	ssyncadd.s32 $0xFFFF8000  }
0x18: {  	[hbm4b:s14+s3] =	stream.linear.scatter [tilespmem:s8], [sflag:$0x5], $0x8000, $0x38;
	[tilespmem:$0x18800] =	vst v63  }
0x19: {  	_ =	swait.ge [sflag:s15], $0x8000  }
0x1a: {  	[sflag:s15] =	ssyncset.done $0x0  }
0x1b: {  	s16 =	simm.s32 $0x300;
	s17 =	simm.s32 $0x3;
	[sflag:s15] =	ssyncadd.s32 $0xFFFF8000  }
0x1c: {  	[tilespmem:s7], [sflag:$0x1] =	stream.indirect.gather [hbm4b:s1+s6], $0x80, s16, s6, $0xb8;
	[tilespmem:$0x18800] =	vst v63  }
0x1d: {  	_ =	swait.ge [sflag:s17], $0x8000  }
0x1e: {  	[sflag:s17] =	ssyncset.done $0x0  }
0x1f: {  	s19 =	simm.s32 $0x5;
	s18 =	sadd.s32 $0x2000, s10;
	[sflag:s17] =	ssyncadd.s32 $0xFFFF8000  }
0x20: {  	[hbm4b:s18+s3] =	stream.linear.scatter [tilespmem:s12], [sflag:$0x6], $0x8000, $0x38;
	[tilespmem:$0x18800] =	vst v63  }
0x21: {  	_ =	swait.ge [sflag:s19], $0x8000  }
0x22: {  	[sflag:s19] =	ssyncset.done $0x0  }
0x23: {  	s20 =	simm.s32 $0x400;
	[sflag:s19] =	ssyncadd.s32 $0xFFFF8000  }
0x24: {  	[tilespmem:s8], [sflag:$0x2] =	stream.indirect.gather [hbm4b:s1+s6], $0x80, s20, s6, $0xb8;
	[tilespmem:$0x18800] =	vst v63  }
0x25: {  	_ =	swait.ge [sflag:s9], $0x8000  }
0x26: {  	[sflag:s9] =	ssyncset.done $0x0  }
0x27: {  	s21 =	simm.s32 $0x6;
	s22 =	sadd.s32 $0x3000, s10;
	[sflag:s9] =	ssyncadd.s32 $0xFFFF8000  }
0x28: {  	[hbm4b:s22+s3] =	stream.linear.scatter [tilespmem:s7], [sflag:$0x4], $0x8000, $0x38;
	[tilespmem:$0x18800] =	vst v63  }
0x29: {  	_ =	swait.ge [sflag:s21], $0x8000  }
0x2a: {  	[sflag:s21] =	ssyncset.done $0x0  }
0x2b: {  	s23 =	simm.s32 $0x500;
	[sflag:s21] =	ssyncadd.s32 $0xFFFF8000  }
0x2c: {  	[tilespmem:s12], [sflag:$0x3] =	stream.indirect.gather [hbm4b:s1+s6], $0x80, s23, s6, $0xb8;
	[tilespmem:$0x18800] =	vst v63  }
0x2d: {  	_ =	swait.ge [sflag:s13], $0x8000  }
0x2e: {  	[sflag:s13] =	ssyncset.done $0x0  }
0x2f: {  	s24 =	sadd.s32 $0x4000, s10;
	[sflag:s13] =	ssyncadd.s32 $0xFFFF8000  }
0x30: {  	[hbm4b:s24+s3] =	stream.linear.scatter [tilespmem:s8], [sflag:$0x5], $0x8000, $0x38;
	[tilespmem:$0x18800] =	vst v63  }
0x31: {  	_ =	swait.ge [sflag:s15], $0x8000  }
0x32: {  	[sflag:s15] =	ssyncset.done $0x0  }
0x33: {  	s25 =	simm.s32 $0x600;
	[sflag:s15] =	ssyncadd.s32 $0xFFFF8000  }
0x34: {  	[tilespmem:s7], [sflag:$0x1] =	stream.indirect.gather [hbm4b:s1+s6], $0x80, s25, s6, $0xb8;
	[tilespmem:$0x18800] =	vst v63  }
0x35: {  	_ =	swait.ge [sflag:s17], $0x8000  }
0x36: {  	[sflag:s17] =	ssyncset.done $0x0  }
0x37: {  	s26 =	sadd.s32 $0x5000, s10;
	[sflag:s17] =	ssyncadd.s32 $0xFFFF8000  }
0x38: {  	[hbm4b:s26+s3] =	stream.linear.scatter [tilespmem:s12], [sflag:$0x6], $0x8000, $0x38;
	[tilespmem:$0x18800] =	vst v63  }
0x39: {  	_ =	swait.ge [sflag:s19], $0x8000  }
0x3a: {  	[sflag:s19] =	ssyncset.done $0x0  }
0x3b: {  	s28 =	simm.s32 $0x700;
	[sflag:s19] =	ssyncadd.s32 $0xFFFF8000  }
0x3c: {  	[tilespmem:s8], [sflag:$0x2] =	stream.indirect.gather [hbm4b:s1+s6], $0x80, s28, s6, $0xb8;
	[tilespmem:$0x18800] =	vst v63  }
0x3d: {  	_ =	swait.ge [sflag:s9], $0x8000  }
0x3e: {  	[sflag:s9] =	ssyncset.done $0x0  }
0x3f: {  	s29 =	sadd.s32 $0x6000, s10;
	[sflag:s9] =	ssyncadd.s32 $0xFFFF8000  }
0x40: {  	[hbm4b:s29+s3] =	stream.linear.scatter [tilespmem:s7], [sflag:$0x4], $0x8000, $0x38;
	[tilespmem:$0x18800] =	vst v63  }
0x41: {  	_ =	swait.ge [sflag:s13], $0x8000  }
0x42: {  	s31 =	ssub.s32 $0x2, s31;
	[sflag:s13] =	ssyncset.done $0x0  }
0x43: {  	s2 =	sshrl.u32 s31, $0x1;
	s30 =	sadd.s32 $0x7000, s10;
	[sflag:s13] =	ssyncadd.s32 $0xFFFF8000  }
0x44: {  	[hbm4b:s30+s3] =	stream.linear.scatter [tilespmem:s8], [sflag:$0x5], $0x8000, $0x38;
	[tilespmem:$0x18800] =	vst v63  }
0x45: {  	s2 =	ssub.s32 s31, s2;
	_ =	swait.ge [sflag:s15], $0x8000  }
0x46: {  	s2 =	smax.u32 s2, $0x1;
	[sflag:s15] =	ssyncset.done $0x0  }
0x47: {  	p0 =	sne.s32 s2, $0x1;
	[sflag:s15] =	ssyncadd.s32 $0xFFFF8000  }
.Ltmp0:
0x48: {  	_ =	swait.ge [sflag:s19], $0x8000;
	(pc) =	sbr.rel @!p0 .LBB2_2-.Ltmp0, $4  }
0x49: {  	[sflag:s19] =	ssyncset.done $0x0  }
0x4a: {  	[sflag:s19] =	ssyncadd.s32 $0xFFFF8000  }
0x4b: {  	_ =	swait.ge [sflag:s21], $0x8000  }
0x4c: {  	s31 =	sadd.s32 $0xFFFFFFFF, s2;
	[sflag:s21] =	ssyncset.done $0x0  }
.LBB2_1:
0x4d: {  	p0 =	sne.s32 s31, $0x1;
	s31 =	sadd.s32 $0xFFFFFFFF, s31;
	[sflag:s21] =	ssyncadd.s32 $0xFFFF8000  }
0x4e: {  	[tilespmem:s3], [sflag:$0x7] =	stream.linear.gather [hbm4b:s4+s3], $0x800, $0x38;
	[tilespmem:$0x18800] =	vst v63  }
0x4f: {  	_ =	swait.ge [sflag:s5], $0x800  }
0x50: {  	[sflag:s5] =	ssyncset.done $0x0  }
0x51: {  	[sflag:s5] =	ssyncadd.s32 $0xFFFFF800  }
0x52: {  	[tilespmem:s7], [sflag:$0x1] =	stream.indirect.gather [hbm4b:s1+s6], $0x80, s3, s6, $0xb8;
	[tilespmem:$0x18800] =	vst v63  }
0x53: {  	_ = 	snop  }
0x54: {  	[tilespmem:s8], [sflag:$0x2] =	stream.indirect.gather [hbm4b:s1+s6], $0x80, s6, s6, $0xb8;
	[tilespmem:$0x18800] =	vst v63  }
0x55: {  	_ =	swait.ge [sflag:s9], $0x8000  }
0x56: {  	[sflag:s9] =	ssyncset.done $0x0  }
0x57: {  	[sflag:s9] =	ssyncadd.s32 $0xFFFF8000  }
0x58: {  	[hbm4b:s10+s3] =	stream.linear.scatter [tilespmem:s7], [sflag:$0x4], $0x8000, $0x38;
	[tilespmem:$0x18800] =	vst v63  }
0x59: {  	_ = 	snop  }
0x5a: {  	[tilespmem:s12], [sflag:$0x3] =	stream.indirect.gather [hbm4b:s1+s6], $0x80, s11, s6, $0xb8;
	[tilespmem:$0x18800] =	vst v63  }
0x5b: {  	_ =	swait.ge [sflag:s13], $0x8000  }
0x5c: {  	[sflag:s13] =	ssyncset.done $0x0  }
0x5d: {  	[sflag:s13] =	ssyncadd.s32 $0xFFFF8000  }
0x5e: {  	[hbm4b:s14+s3] =	stream.linear.scatter [tilespmem:s8], [sflag:$0x5], $0x8000, $0x38;
	[tilespmem:$0x18800] =	vst v63  }
0x5f: {  	_ =	swait.ge [sflag:s15], $0x8000  }
0x60: {  	[sflag:s15] =	ssyncset.done $0x0  }
0x61: {  	[sflag:s15] =	ssyncadd.s32 $0xFFFF8000  }
0x62: {  	[tilespmem:s7], [sflag:$0x1] =	stream.indirect.gather [hbm4b:s1+s6], $0x80, s16, s6, $0xb8;
	[tilespmem:$0x18800] =	vst v63  }
0x63: {  	_ =	swait.ge [sflag:s17], $0x8000  }
0x64: {  	[sflag:s17] =	ssyncset.done $0x0  }
0x65: {  	[sflag:s17] =	ssyncadd.s32 $0xFFFF8000  }
0x66: {  	[hbm4b:s18+s3] =	stream.linear.scatter [tilespmem:s12], [sflag:$0x6], $0x8000, $0x38;
	[tilespmem:$0x18800] =	vst v63  }
0x67: {  	_ =	swait.ge [sflag:s19], $0x8000  }
0x68: {  	[sflag:s19] =	ssyncset.done $0x0  }
0x69: {  	[sflag:s19] =	ssyncadd.s32 $0xFFFF8000  }
0x6a: {  	[tilespmem:s8], [sflag:$0x2] =	stream.indirect.gather [hbm4b:s1+s6], $0x80, s20, s6, $0xb8;
	[tilespmem:$0x18800] =	vst v63  }
0x6b: {  	_ =	swait.ge [sflag:s9], $0x8000  }
0x6c: {  	[sflag:s9] =	ssyncset.done $0x0  }
0x6d: {  	[sflag:s9] =	ssyncadd.s32 $0xFFFF8000  }
0x6e: {  	[hbm4b:s22+s3] =	stream.linear.scatter [tilespmem:s7], [sflag:$0x4], $0x8000, $0x38;
	[tilespmem:$0x18800] =	vst v63  }
0x6f: {  	_ =	swait.ge [sflag:s21], $0x8000  }
0x70: {  	[sflag:s21] =	ssyncset.done $0x0  }
0x71: {  	[sflag:s21] =	ssyncadd.s32 $0xFFFF8000  }
0x72: {  	[tilespmem:s12], [sflag:$0x3] =	stream.indirect.gather [hbm4b:s1+s6], $0x80, s23, s6, $0xb8;
	[tilespmem:$0x18800] =	vst v63  }
0x73: {  	_ =	swait.ge [sflag:s13], $0x8000  }
0x74: {  	[sflag:s13] =	ssyncset.done $0x0  }
0x75: {  	[sflag:s13] =	ssyncadd.s32 $0xFFFF8000  }
0x76: {  	[hbm4b:s24+s3] =	stream.linear.scatter [tilespmem:s8], [sflag:$0x5], $0x8000, $0x38;
	[tilespmem:$0x18800] =	vst v63  }
0x77: {  	_ =	swait.ge [sflag:s15], $0x8000  }
0x78: {  	[sflag:s15] =	ssyncset.done $0x0  }
0x79: {  	[sflag:s15] =	ssyncadd.s32 $0xFFFF8000  }
0x7a: {  	[tilespmem:s7], [sflag:$0x1] =	stream.indirect.gather [hbm4b:s1+s6], $0x80, s25, s6, $0xb8;
	[tilespmem:$0x18800] =	vst v63  }
0x7b: {  	_ =	swait.ge [sflag:s17], $0x8000  }
0x7c: {  	[sflag:s17] =	ssyncset.done $0x0  }
0x7d: {  	[sflag:s17] =	ssyncadd.s32 $0xFFFF8000  }
0x7e: {  	[hbm4b:s26+s3] =	stream.linear.scatter [tilespmem:s12], [sflag:$0x6], $0x8000, $0x38;
	[tilespmem:$0x18800] =	vst v63  }
0x7f: {  	_ =	swait.ge [sflag:s19], $0x8000  }
0x80: {  	[sflag:s19] =	ssyncset.done $0x0  }
0x81: {  	[sflag:s19] =	ssyncadd.s32 $0xFFFF8000  }
0x82: {  	[tilespmem:s8], [sflag:$0x2] =	stream.indirect.gather [hbm4b:s1+s6], $0x80, s28, s6, $0xb8;
	[tilespmem:$0x18800] =	vst v63  }
0x83: {  	_ =	swait.ge [sflag:s9], $0x8000  }
0x84: {  	[sflag:s9] =	ssyncset.done $0x0  }
0x85: {  	[sflag:s9] =	ssyncadd.s32 $0xFFFF8000  }
0x86: {  	[hbm4b:s29+s3] =	stream.linear.scatter [tilespmem:s7], [sflag:$0x4], $0x8000, $0x38;
	[tilespmem:$0x18800] =	vst v63  }
0x87: {  	_ =	swait.ge [sflag:s13], $0x8000  }
0x88: {  	[sflag:s13] =	ssyncset.done $0x0  }
0x89: {  	[sflag:s13] =	ssyncadd.s32 $0xFFFF8000  }
0x8a: {  	[hbm4b:s30+s3] =	stream.linear.scatter [tilespmem:s8], [sflag:$0x5], $0x8000, $0x38;
	[tilespmem:$0x18800] =	vst v63  }
0x8b: {  	_ =	swait.ge [sflag:s15], $0x8000  }
0x8c: {  	[sflag:s15] =	ssyncset.done $0x0  }
0x8d: {  	[sflag:s15] =	ssyncadd.s32 $0xFFFF8000  }
.Ltmp1:
0x8e: {  	_ =	swait.ge [sflag:s19], $0x8000;
	(pc) =	sbr.rel @p0 .LBB2_1-.Ltmp1, $4  }
0x8f: {  	[sflag:s19] =	ssyncset.done $0x0  }
0x90: {  	[sflag:s19] =	ssyncadd.s32 $0xFFFF8000  }
0x91: {  	_ =	swait.ge [sflag:s21], $0x8000  }
0x92: {  	[sflag:s21] =	ssyncset.done $0x0  }
.LBB2_2:
0x93: {  	[sflag:s21] =	ssyncadd.s32 $0xFFFF8000  }
0x94: {  	_ =	sfence.sel $0x180000  }
0x95: {  	[bflag:$0x0] =	sbarrier.arrive $0xFFFF  }
0x96: {  	_ =	strace $0x90000047  }
0x97: {  	[bflag:$0x2] =	sbarrier.arrive $0xFFFF  }
0x98: {  	p0 =	sne.s32 s0, $0x0;
	s0 =	rddreg [dreg:$0x3]  }
0x99: {  	s0 =	sadd.s32 @!p0 $0x100000, s0  }
0x9a: {  	[sflag:s0] =	ssyncadd.tile.s32 @!p0 $0x1;
	_ =	shalt  }
.Lfunc_end2:
_tile_overlayer_lowered:
.L_overlay_start_2:
0x9b: {  	(tag) =	ssettag $0x2  }
0x9c: {  	s0 =	rddreg [dreg:$0x0];
	s2 =	stileid.u32  }
0x9d: {  	s1 =	rddreg [dreg:$0x1];
	p0 =	sne.s32 s2, $0x0  }
0x9e: {  	s3 =	rddreg [dreg:$0x2];
	[bflag:$0x3] =	sbarrier.arrive $0xFFFF;
	s2 =	simm.s32 @!p0 $0x1C07  }
0x9f: {  	[timem:s3], [sflag:s2] =	dma.local @!p0 [hbm:s0], s1  }
0xa0: {  	s0 =	simm.s32 @!p0 $0x7  }
0xa1: {  	_ =	swait.ge @!p0 [sflag:s0], s1  }
0xa2: {  	s1 =	ssub.s32 @!p0 $0x0, s1;
	[sflag:s0] =	ssyncset.done @!p0 $0x0  }
0xa3: {  	[sflag:s0] =	ssyncadd.s32 @!p0 s1  }
0xa4: {  	[bflag:$0x3] =	sbarrier.arrive $0xFFFF  }
0xa5: {  	_ =	shalt  }

</sc_bundles>
